<compile_context>
chip_gen: v7x
topology: tpu7x:2x2x1
jax: 0.10.2.dev20260603
libtpu: 0.0.44.dev20260713+nightly
codegen_flags: <defaults>
</compile_context>

<pallas_src>
import functools

import jax
import jax.numpy as jnp
import numpy as np
from jax import lax
from jax.experimental import pallas as pl
from jax.experimental.pallas import tpu as pltpu
from jax.experimental.pallas import tpu_sc as plsc

VOCAB = 49408
K = 1000
N_TOK = 77
N_CTX = 16
DIM = 768

NW = 32
CH = 16
NA = 64
NB = 3750
NB_PAD = 3776
NCH = NA + NB
SCHUNK = 62
ECHUNK = 63
NC_CTX = 88
NC_GAT = 152
NBUF = 5
CTX_BLK = 40
CTX_NWR = K * N_CTX // (16 * CTX_BLK)


def _sc_body(idx_a, idx_b, table, ctxr, out, idx_va, idx_vb, cbuf, *scr):
    bufs = scr[:NBUF]
    gsems = scr[NBUF:2 * NBUF]
    wsems = scr[2 * NBUF:3 * NBUF]
    csem = scr[3 * NBUF]
    wid = lax.axis_index("s") * 2 + lax.axis_index("c")
    base = jnp.where(wid < N_CTX, NC_CTX * wid,
                     N_CTX * NC_CTX + NC_GAT * (wid - N_CTX))
    cap = jnp.where(wid < N_CTX, NC_CTX, NC_GAT)
    nc = jnp.clip(NCH - base, 0, cap)

    @pl.when(wid == 0)
    def _stage0():
        pltpu.sync_copy(idx_a, idx_va)
        pltpu.sync_copy(idx_b.at[pl.ds(0, NC_GAT)], idx_vb)

    @pl.when(wid > 0)
    def _stage():
        off = pl.multiple_of(base - NA, 8)
        pltpu.sync_copy(idx_b.at[pl.ds(off, NC_GAT)], idx_vb)

    @pl.when(wid < N_CTX)
    def _ctx():
        pltpu.sync_copy(ctxr.at[wid], cbuf)
        for m in range(CTX_NWR):
            r = pl.multiple_of(K * (wid + 1) + CTX_BLK * m, 8)
            pltpu.async_copy(cbuf, out.at[pl.ds(r, CTX_BLK)], csem)

    def writeback(c, buf, wsem, wait):
        r16 = pl.multiple_of(
            jnp.where(c < SCHUNK, CH * c, CH * c + (N_CTX + 1) * K - NA * CH), 8)
        d16 = pltpu.make_async_copy(buf, out.at[pl.ds(r16, CH)], wsem)
        d8 = pltpu.make_async_copy(buf.at[pl.ds(0, 8)],
                                   out.at[pl.ds(SCHUNK * CH, 8)], wsem)

        @pl.when(c == SCHUNK)
        def _():
            d8.wait() if wait else d8.start()

        @pl.when(c != SCHUNK)
        def _():
            d16.wait() if wait else d16.start()

    def live(i):
        return jnp.logical_and(i < nc, base + i != ECHUNK)

    def step(i, h):
        @pl.when(jnp.logical_and(i >= NBUF, live(i - NBUF)))
        def _drain():
            writeback(base + i - NBUF, bufs[h], wsems[h], wait=True)

        h3 = (h + NBUF - 3) % NBUF

        @pl.when(jnp.logical_and(i >= 3, live(i - 3)))
        def _retire():
            pltpu.make_async_copy(table.at[pl.ds(0, CH)], bufs[h3],
                                  gsems[h3]).wait()
            writeback(base + i - 3, bufs[h3], wsems[h3], wait=False)

        @pl.when(live(i))
        def _issue():
            c = base + i

            @pl.when(c < NA)
            def _a():
                pltpu.async_copy(table.at[idx_va[i]], bufs[h], gsems[h])

            @pl.when(c >= NA)
            def _b():
                pltpu.async_copy(table.at[idx_vb[jnp.where(wid == 0, i - NA, i)]],
                                 bufs[h], gsems[h])

    def loop_body(j, carry):
        for h in range(NBUF):
            step(NBUF * j + h, h)
        return carry

    lax.fori_loop(0, (NC_GAT + 2 * NBUF) // NBUF, loop_body, 0)

    @pl.when(wid < N_CTX)
    def _ctx_drain():
        for m in range(CTX_NWR):
            pltpu.make_async_copy(cbuf, out.at[pl.ds(0, CTX_BLK)], csem).wait()


def kernel(tokens, table, ctx):
    tokens = tokens.astype(jnp.int32)
    idx_a = jnp.zeros((NA * CH,), jnp.int32).at[:K].set(
        tokens[:, 0]).reshape(NA, CH)
    idx_b = jnp.zeros((NB_PAD, CH), jnp.int32).at[:NB].set(
        tokens[:, 1 + N_CTX:].T.reshape(NB, CH))
    ctx_rep = jnp.broadcast_to(ctx[:, None, :], (N_CTX, CTX_BLK, DIM))

    mesh = plsc.VectorSubcoreMesh(core_axis_name="c", subcore_axis_name="s")
    run = pl.kernel(
        _sc_body,
        out_type=jax.ShapeDtypeStruct((N_TOK * K, DIM), jnp.float32),
        mesh=mesh,
        scratch_types=[
            pltpu.VMEM((NA, CH), jnp.int32),
            pltpu.VMEM((NC_GAT, CH), jnp.int32),
            pltpu.VMEM((CTX_BLK, DIM), jnp.float32),
        ] + [pltpu.VMEM((CH, DIM), jnp.float32)] * NBUF
          + [pltpu.SemaphoreType.DMA] * (2 * NBUF + 1),
    )
    out = run(idx_a, idx_b, table, ctx_rep)
    return out.reshape(N_TOK, K, DIM).transpose(1, 0, 2)

# --- scband reference (transcript-rebuilt; emitter-appended) ---
"""Pipeline reference for scband-prompt-learner-co-op-64579128262790 (READ-ONLY COPY).

The authoritative reference and input builder live on the scoring server;
editing this copy changes nothing except your own understanding.
"""

import jax, jax.numpy as jnp
import numpy as np

VOCAB = 49408
K = 1000
N_TOK = 77
N_CTX = 16
DIM = 768


def setup_inputs(seed: int = 0) -> dict:
    key = jax.random.key(seed)
    k1, k2, k3 = jax.random.split(key, 3)
    tokens = jax.random.randint(k1, (K, N_TOK), 0, VOCAB)
    table = jax.random.normal(k2, (VOCAB, DIM), dtype=jnp.float32) * 0.02
    ctx = jax.random.normal(k3, (N_CTX, DIM), dtype=jnp.float32) * 0.02
    return {"tokens": tokens, "table": table, "ctx": ctx}


def reference(tokens, table, ctx):
    # prompts = token_embedding(tokenized_prompts)  -> gather from vocab table
    prompts = jnp.take(table, tokens, axis=0)  # (K, N_TOK, DIM)
    # prompts[:, 1:1+n_ctx, :] = ctx (shared context expanded over classes)
    ctx_b = jnp.broadcast_to(ctx[None, :, :], (K, N_CTX, DIM))
    prompts = prompts.at[:, 1:1 + N_CTX, :].set(ctx_b)
    return prompts

if __name__ == "__main__":
    import jax
    _d = setup_inputs()
    print(jax.jit(kernel)(*tuple(_d.values())))

</pallas_src>

<mosaic_0001>
#map = affine_map<(d0, d1) -> (0, 0)>
#map1 = affine_map<(d0, d1) -> (0, 0, 0)>
module attributes {stable_mosaic.version = 14 : i64} {
  func.func @_sc_body(%arg0: i32, %arg1: i32, %arg2: memref<64x16xi32, #tpu.memory_space<hbm>>, %arg3: memref<3776x16xi32, #tpu.memory_space<hbm>>, %arg4: memref<49408x768xf32, #tpu.memory_space<hbm>>, %arg5: memref<16x40x768xf32, #tpu.memory_space<hbm>>, %arg6: memref<77000x768xf32, #tpu.memory_space<hbm>>, %arg7: memref<64x16xi32, #tpu.memory_space<vmem>>, %arg8: memref<152x16xi32, #tpu.memory_space<vmem>>, %arg9: memref<40x768xf32, #tpu.memory_space<vmem>>, %arg10: memref<16x768xf32, #tpu.memory_space<vmem>>, %arg11: memref<16x768xf32, #tpu.memory_space<vmem>>, %arg12: memref<16x768xf32, #tpu.memory_space<vmem>>, %arg13: memref<16x768xf32, #tpu.memory_space<vmem>>, %arg14: memref<16x768xf32, #tpu.memory_space<vmem>>, %arg15: memref<!tpu.dma_semaphore, #tpu.memory_space<semaphore_mem>>, %arg16: memref<!tpu.dma_semaphore, #tpu.memory_space<semaphore_mem>>, %arg17: memref<!tpu.dma_semaphore, #tpu.memory_space<semaphore_mem>>, %arg18: memref<!tpu.dma_semaphore, #tpu.memory_space<semaphore_mem>>, %arg19: memref<!tpu.dma_semaphore, #tpu.memory_space<semaphore_mem>>, %arg20: memref<!tpu.dma_semaphore, #tpu.memory_space<semaphore_mem>>, %arg21: memref<!tpu.dma_semaphore, #tpu.memory_space<semaphore_mem>>, %arg22: memref<!tpu.dma_semaphore, #tpu.memory_space<semaphore_mem>>, %arg23: memref<!tpu.dma_semaphore, #tpu.memory_space<semaphore_mem>>, %arg24: memref<!tpu.dma_semaphore, #tpu.memory_space<semaphore_mem>>, %arg25: memref<!tpu.dma_semaphore, #tpu.memory_space<semaphore_mem>>) attributes {dimension_semantics = [#tpu.dimension_semantics<core_parallel>, #tpu.dimension_semantics<subcore_parallel>], iteration_bounds = array<i64: 2, 16>, scalar_prefetch = 0 : i64, scratch_operands = 19 : i64, tpu.core_type = #tpu.core_type<sc_vector_subcore>, window_params = [{transform_indices = #map}, {transform_indices = #map}, {transform_indices = #map}, {transform_indices = #map1}, {transform_indices = #map}]} {
    %mul3A = arith.constant 2 : i32
    %mul3A_0 = arith.muli %arg1, %mul3A : i32
    %add3A = arith.addi %mul3A_0, %arg0 : i32
    %lt3A = arith.constant 16 : i32
    %lt3A_1 = arith.cmpi slt, %add3A, %lt3A : i32
    %mul3A_2 = arith.constant 88 : i32
    %mul3A_3 = arith.muli %mul3A_2, %add3A : i32
    %sub3A = arith.constant 16 : i32
    %sub3A_4 = arith.subi %add3A, %sub3A : i32
    %mul3A_5 = arith.constant 152 : i32
    %mul3A_6 = arith.muli %mul3A_5, %sub3A_4 : i32
    %add3A_7 = arith.constant 1408 : i32
    %add3A_8 = arith.addi %add3A_7, %mul3A_6 : i32
    %select_n3A = arith.select %lt3A_1, %mul3A_3, %add3A_8 : i32
    %lt3A_9 = arith.constant 16 : i32
    %lt3A_10 = arith.cmpi slt, %add3A, %lt3A_9 : i32
    %jit3A = arith.constant 88 : i32
    %jit3A_11 = arith.constant 152 : i32
    %select_n3A_12 = arith.select %lt3A_10, %jit3A, %jit3A_11 : i32
    %sub3A_13 = arith.constant 3814 : i32
    %sub3A_14 = arith.subi %sub3A_13, %select_n3A : i32
    %jit3A_15 = arith.constant 0 : i32
    %max3A = arith.maxsi %jit3A_15, %sub3A_14 : i32
    %min3A = arith.minsi %select_n3A_12, %max3A : i32
    %eq3A = arith.constant 0 : i32
    %eq3A_16 = arith.cmpi eq, %add3A, %eq3A : i32
    %convert_element_type3A = arith.extui %eq3A_16 : i1 to i32
    %cond3A = arith.constant 0 : i32
    %cond3A_17 = arith.cmpi ne, %convert_element_type3A, %cond3A : i32
    scf.if %cond3A_17 {
      "tpu.region"() ({
        %run_scoped3A = tpu.sem_alloc : memref<!tpu.dma_semaphore, #tpu.memory_space<semaphore_mem>>
        tpu.enqueue_dma source(%arg2 : memref<64x16xi32, #tpu.memory_space<hbm>>) target(%arg7 : memref<64x16xi32, #tpu.memory_space<vmem>>) target_semaphore(%run_scoped3A : memref<!tpu.dma_semaphore, #tpu.memory_space<semaphore_mem>>)
        tpu.wait_dma2 semaphore(%run_scoped3A : memref<!tpu.dma_semaphore, #tpu.memory_space<semaphore_mem>>) src(%arg2 : memref<64x16xi32, #tpu.memory_space<hbm>>) dst(%arg7 : memref<64x16xi32, #tpu.memory_space<vmem>>)
        tpu.yield
      }) : () -> ()
      "tpu.region"() ({
        %run_scoped3A = tpu.sem_alloc : memref<!tpu.dma_semaphore, #tpu.memory_space<semaphore_mem>>
        %dma_start3A = arith.constant 0 : i32
        %dma_start3A_37 = arith.constant 0 : i32
        %dma_start3A_38 = tpu.memref_slice %arg3[%dma_start3A, %dma_start3A_37] : memref<3776x16xi32, #tpu.memory_space<hbm>> -> memref<152x16xi32, #tpu.memory_space<hbm>>
        %dma_start3A_39 = arith.constant 0 : i32
        %dma_start3A_40 = arith.constant 0 : i32
        %dma_start3A_41 = tpu.memref_slice %arg3[%dma_start3A_39, %dma_start3A_40] : memref<3776x16xi32, #tpu.memory_space<hbm>> -> memref<152x16xi32, #tpu.memory_space<hbm>>
        tpu.enqueue_dma source(%dma_start3A_41 : memref<152x16xi32, #tpu.memory_space<hbm>>) target(%arg8 : memref<152x16xi32, #tpu.memory_space<vmem>>) target_semaphore(%run_scoped3A : memref<!tpu.dma_semaphore, #tpu.memory_space<semaphore_mem>>)
        %dma_wait3A = arith.constant 0 : i32
        %dma_wait3A_42 = arith.constant 0 : i32
        %dma_wait3A_43 = tpu.memref_slice %arg3[%dma_wait3A, %dma_wait3A_42] : memref<3776x16xi32, #tpu.memory_space<hbm>> -> memref<152x16xi32, #tpu.memory_space<hbm>>
        %dma_wait3A_44 = arith.constant 0 : i32
        %dma_wait3A_45 = arith.constant 0 : i32
        %dma_wait3A_46 = tpu.memref_slice %arg3[%dma_wait3A_44, %dma_wait3A_45] : memref<3776x16xi32, #tpu.memory_space<hbm>> -> memref<152x16xi32, #tpu.memory_space<hbm>>
        tpu.wait_dma2 semaphore(%run_scoped3A : memref<!tpu.dma_semaphore, #tpu.memory_space<semaphore_mem>>) src(%dma_wait3A_46 : memref<152x16xi32, #tpu.memory_space<hbm>>) dst(%arg8 : memref<152x16xi32, #tpu.memory_space<vmem>>)
        tpu.yield
      }) : () -> ()
    } else {
    }
    %gt3A = arith.constant 0 : i32
    %gt3A_18 = arith.cmpi sgt, %add3A, %gt3A : i32
    %convert_element_type3A_19 = arith.extui %gt3A_18 : i1 to i32
    %cond3A_20 = arith.constant 0 : i32
    %cond3A_21 = arith.cmpi ne, %convert_element_type3A_19, %cond3A_20 : i32
    scf.if %cond3A_21 {
      %sub3A_37 = arith.constant 64 : i32
      %sub3A_38 = arith.subi %select_n3A, %sub3A_37 : i32
      %multiple_of3A = tpu.assume_multiple %sub3A_38, 8 : i32
      "tpu.region"() ({
        %run_scoped3A = tpu.sem_alloc : memref<!tpu.dma_semaphore, #tpu.memory_space<semaphore_mem>>
        %dma_start3A = arith.constant 0 : i32
        %dma_start3A_39 = tpu.memref_slice %arg3[%multiple_of3A, %dma_start3A] : memref<3776x16xi32, #tpu.memory_space<hbm>> -> memref<152x16xi32, #tpu.memory_space<hbm>>
        %dma_start3A_40 = arith.constant 0 : i32
        %dma_start3A_41 = tpu.memref_slice %arg3[%multiple_of3A, %dma_start3A_40] : memref<3776x16xi32, #tpu.memory_space<hbm>> -> memref<152x16xi32, #tpu.memory_space<hbm>>
        tpu.enqueue_dma source(%dma_start3A_41 : memref<152x16xi32, #tpu.memory_space<hbm>>) target(%arg8 : memref<152x16xi32, #tpu.memory_space<vmem>>) target_semaphore(%run_scoped3A : memref<!tpu.dma_semaphore, #tpu.memory_space<semaphore_mem>>)
        %dma_wait3A = arith.constant 0 : i32
        %dma_wait3A_42 = tpu.memref_slice %arg3[%multiple_of3A, %dma_wait3A] : memref<3776x16xi32, #tpu.memory_space<hbm>> -> memref<152x16xi32, #tpu.memory_space<hbm>>
        %dma_wait3A_43 = arith.constant 0 : i32
        %dma_wait3A_44 = tpu.memref_slice %arg3[%multiple_of3A, %dma_wait3A_43] : memref<3776x16xi32, #tpu.memory_space<hbm>> -> memref<152x16xi32, #tpu.memory_space<hbm>>
        tpu.wait_dma2 semaphore(%run_scoped3A : memref<!tpu.dma_semaphore, #tpu.memory_space<semaphore_mem>>) src(%dma_wait3A_44 : memref<152x16xi32, #tpu.memory_space<hbm>>) dst(%arg8 : memref<152x16xi32, #tpu.memory_space<vmem>>)
        tpu.yield
      }) : () -> ()
    } else {
    }
    %lt3A_22 = arith.constant 16 : i32
    %lt3A_23 = arith.cmpi slt, %add3A, %lt3A_22 : i32
    %convert_element_type3A_24 = arith.extui %lt3A_23 : i1 to i32
    %cond3A_25 = arith.constant 0 : i32
    %cond3A_26 = arith.cmpi ne, %convert_element_type3A_24, %cond3A_25 : i32
    scf.if %cond3A_26 {
      "tpu.region"() ({
        %run_scoped3A = tpu.sem_alloc : memref<!tpu.dma_semaphore, #tpu.memory_space<semaphore_mem>>
        %dma_start3A_310 = arith.constant 0 : i32
        %dma_start3A_311 = arith.constant 0 : i32
        %dma_start3A_312 = tpu.memref_slice %arg5[%add3A, %dma_start3A_310, %dma_start3A_311] : memref<16x40x768xf32, #tpu.memory_space<hbm>> -> memref<1x40x768xf32, #tpu.memory_space<hbm>>
        %dma_start3A_313 = tpu.memref_squeeze %dma_start3A_312 : memref<1x40x768xf32, #tpu.memory_space<hbm>> -> memref<40x768xf32, #tpu.memory_space<hbm>>
        %dma_start3A_314 = arith.constant 0 : i32
        %dma_start3A_315 = arith.constant 0 : i32
        %dma_start3A_316 = tpu.memref_slice %arg5[%add3A, %dma_start3A_314, %dma_start3A_315] : memref<16x40x768xf32, #tpu.memory_space<hbm>> -> memref<1x40x768xf32, #tpu.memory_space<hbm>>
        %dma_start3A_317 = tpu.memref_squeeze %dma_start3A_316 : memref<1x40x768xf32, #tpu.memory_space<hbm>> -> memref<40x768xf32, #tpu.memory_space<hbm>>
        tpu.enqueue_dma source(%dma_start3A_317 : memref<40x768xf32, #tpu.memory_space<hbm>>) target(%arg9 : memref<40x768xf32, #tpu.memory_space<vmem>>) target_semaphore(%run_scoped3A : memref<!tpu.dma_semaphore, #tpu.memory_space<semaphore_mem>>)
        %dma_wait3A = arith.constant 0 : i32
        %dma_wait3A_318 = arith.constant 0 : i32
        %dma_wait3A_319 = tpu.memref_slice %arg5[%add3A, %dma_wait3A, %dma_wait3A_318] : memref<16x40x768xf32, #tpu.memory_space<hbm>> -> memref<1x40x768xf32, #tpu.memory_space<hbm>>
        %dma_wait3A_320 = tpu.memref_squeeze %dma_wait3A_319 : memref<1x40x768xf32, #tpu.memory_space<hbm>> -> memref<40x768xf32, #tpu.memory_space<hbm>>
        %dma_wait3A_321 = arith.constant 0 : i32
        %dma_wait3A_322 = arith.constant 0 : i32
        %dma_wait3A_323 = tpu.memref_slice %arg5[%add3A, %dma_wait3A_321, %dma_wait3A_322] : memref<16x40x768xf32, #tpu.memory_space<hbm>> -> memref<1x40x768xf32, #tpu.memory_space<hbm>>
        %dma_wait3A_324 = tpu.memref_squeeze %dma_wait3A_323 : memref<1x40x768xf32, #tpu.memory_space<hbm>> -> memref<40x768xf32, #tpu.memory_space<hbm>>
        tpu.wait_dma2 semaphore(%run_scoped3A : memref<!tpu.dma_semaphore, #tpu.memory_space<semaphore_mem>>) src(%dma_wait3A_324 : memref<40x768xf32, #tpu.memory_space<hbm>>) dst(%arg9 : memref<40x768xf32, #tpu.memory_space<vmem>>)
        tpu.yield
      }) : () -> ()
      %add3A_37 = arith.constant 1 : i32
      %add3A_38 = arith.addi %add3A, %add3A_37 : i32
      %mul3A_39 = arith.constant 1000 : i32
      %mul3A_40 = arith.muli %mul3A_39, %add3A_38 : i32
      %add3A_41 = arith.constant 0 : i32
      %add3A_42 = arith.addi %mul3A_40, %add3A_41 : i32
      %multiple_of3A = tpu.assume_multiple %add3A_42, 8 : i32
      %dma_start3A = arith.constant 0 : i32
      %dma_start3A_43 = tpu.memref_slice %arg6[%multiple_of3A, %dma_start3A] : memref<77000x768xf32, #tpu.memory_space<hbm>> -> memref<40x768xf32, #tpu.memory_space<hbm>>
      %dma_start3A_44 = arith.constant 0 : i32
      %dma_start3A_45 = tpu.memref_slice %arg6[%multiple_of3A, %dma_start3A_44] : memref<77000x768xf32, #tpu.memory_space<hbm>> -> memref<40x768xf32, #tpu.memory_space<hbm>>
      tpu.enqueue_dma source(%arg9 : memref<40x768xf32, #tpu.memory_space<vmem>>) target(%dma_start3A_45 : memref<40x768xf32, #tpu.memory_space<hbm>>) target_semaphore(%arg25 : memref<!tpu.dma_semaphore, #tpu.memory_space<semaphore_mem>>)
      %add3A_46 = arith.constant 1 : i32
      %add3A_47 = arith.addi %add3A, %add3A_46 : i32
      %mul3A_48 = arith.constant 1000 : i32
      %mul3A_49 = arith.muli %mul3A_48, %add3A_47 : i32
      %add3A_50 = arith.constant 40 : i32
      %add3A_51 = arith.addi %mul3A_49, %add3A_50 : i32
      %multiple_of3A_52 = tpu.assume_multiple %add3A_51, 8 : i32
      %dma_start3A_53 = arith.constant 0 : i32
      %dma_start3A_54 = tpu.memref_slice %arg6[%multiple_of3A_52, %dma_start3A_53] : memref<77000x768xf32, #tpu.memory_space<hbm>> -> memref<40x768xf32, #tpu.memory_space<hbm>>
      %dma_start3A_55 = arith.constant 0 : i32
      %dma_start3A_56 = tpu.memref_slice %arg6[%multiple_of3A_52, %dma_start3A_55] : memref<77000x768xf32, #tpu.memory_space<hbm>> -> memref<40x768xf32, #tpu.memory_space<hbm>>
      tpu.enqueue_dma source(%arg9 : memref<40x768xf32, #tpu.memory_space<vmem>>) target(%dma_start3A_56 : memref<40x768xf32, #tpu.memory_space<hbm>>) target_semaphore(%arg25 : memref<!tpu.dma_semaphore, #tpu.memory_space<semaphore_mem>>)
      %add3A_57 = arith.constant 1 : i32
      %add3A_58 = arith.addi %add3A, %add3A_57 : i32
      %mul3A_59 = arith.constant 1000 : i32
      %mul3A_60 = arith.muli %mul3A_59, %add3A_58 : i32
      %add3A_61 = arith.constant 80 : i32
      %add3A_62 = arith.addi %mul3A_60, %add3A_61 : i32
      %multiple_of3A_63 = tpu.assume_multiple %add3A_62, 8 : i32
      %dma_start3A_64 = arith.constant 0 : i32
      %dma_start3A_65 = tpu.memref_slice %arg6[%multiple_of3A_63, %dma_start3A_64] : memref<77000x768xf32, #tpu.memory_space<hbm>> -> memref<40x768xf32, #tpu.memory_space<hbm>>
      %dma_start3A_66 = arith.constant 0 : i32
      %dma_start3A_67 = tpu.memref_slice %arg6[%multiple_of3A_63, %dma_start3A_66] : memref<77000x768xf32, #tpu.memory_space<hbm>> -> memref<40x768xf32, #tpu.memory_space<hbm>>
      tpu.enqueue_dma source(%arg9 : memref<40x768xf32, #tpu.memory_space<vmem>>) target(%dma_start3A_67 : memref<40x768xf32, #tpu.memory_space<hbm>>) target_semaphore(%arg25 : memref<!tpu.dma_semaphore, #tpu.memory_space<semaphore_mem>>)
      %add3A_68 = arith.constant 1 : i32
      %add3A_69 = arith.addi %add3A, %add3A_68 : i32
      %mul3A_70 = arith.constant 1000 : i32
      %mul3A_71 = arith.muli %mul3A_70, %add3A_69 : i32
      %add3A_72 = arith.constant 120 : i32
      %add3A_73 = arith.addi %mul3A_71, %add3A_72 : i32
      %multiple_of3A_74 = tpu.assume_multiple %add3A_73, 8 : i32
      %dma_start3A_75 = arith.constant 0 : i32
      %dma_start3A_76 = tpu.memref_slice %arg6[%multiple_of3A_74, %dma_start3A_75] : memref<77000x768xf32, #tpu.memory_space<hbm>> -> memref<40x768xf32, #tpu.memory_space<hbm>>
      %dma_start3A_77 = arith.constant 0 : i32
      %dma_start3A_78 = tpu.memref_slice %arg6[%multiple_of3A_74, %dma_start3A_77] : memref<77000x768xf32, #tpu.memory_space<hbm>> -> memref<40x768xf32, #tpu.memory_space<hbm>>
      tpu.enqueue_dma source(%arg9 : memref<40x768xf32, #tpu.memory_space<vmem>>) target(%dma_start3A_78 : memref<40x768xf32, #tpu.memory_space<hbm>>) target_semaphore(%arg25 : memref<!tpu.dma_semaphore, #tpu.memory_space<semaphore_mem>>)
      %add3A_79 = arith.constant 1 : i32
      %add3A_80 = arith.addi %add3A, %add3A_79 : i32
      %mul3A_81 = arith.constant 1000 : i32
      %mul3A_82 = arith.muli %mul3A_81, %add3A_80 : i32
      %add3A_83 = arith.constant 160 : i32
      %add3A_84 = arith.addi %mul3A_82, %add3A_83 : i32
      %multiple_of3A_85 = tpu.assume_multiple %add3A_84, 8 : i32
      %dma_start3A_86 = arith.constant 0 : i32
      %dma_start3A_87 = tpu.memref_slice %arg6[%multiple_of3A_85, %dma_start3A_86] : memref<77000x768xf32, #tpu.memory_space<hbm>> -> memref<40x768xf32, #tpu.memory_space<hbm>>
      %dma_start3A_88 = arith.constant 0 : i32
      %dma_start3A_89 = tpu.memref_slice %arg6[%multiple_of3A_85, %dma_start3A_88] : memref<77000x768xf32, #tpu.memory_space<hbm>> -> memref<40x768xf32, #tpu.memory_space<hbm>>
      tpu.enqueue_dma source(%arg9 : memref<40x768xf32, #tpu.memory_space<vmem>>) target(%dma_start3A_89 : memref<40x768xf32, #tpu.memory_space<hbm>>) target_semaphore(%arg25 : memref<!tpu.dma_semaphore, #tpu.memory_space<semaphore_mem>>)
      %add3A_90 = arith.constant 1 : i32
      %add3A_91 = arith.addi %add3A, %add3A_90 : i32
      %mul3A_92 = arith.constant 1000 : i32
      %mul3A_93 = arith.muli %mul3A_92, %add3A_91 : i32
      %add3A_94 = arith.constant 200 : i32
      %add3A_95 = arith.addi %mul3A_93, %add3A_94 : i32
      %multiple_of3A_96 = tpu.assume_multiple %add3A_95, 8 : i32
      %dma_start3A_97 = arith.constant 0 : i32
      %dma_start3A_98 = tpu.memref_slice %arg6[%multiple_of3A_96, %dma_start3A_97] : memref<77000x768xf32, #tpu.memory_space<hbm>> -> memref<40x768xf32, #tpu.memory_space<hbm>>
      %dma_start3A_99 = arith.constant 0 : i32
      %dma_start3A_100 = tpu.memref_slice %arg6[%multiple_of3A_96, %dma_start3A_99] : memref<77000x768xf32, #tpu.memory_space<hbm>> -> memref<40x768xf32, #tpu.memory_space<hbm>>
      tpu.enqueue_dma source(%arg9 : memref<40x768xf32, #tpu.memory_space<vmem>>) target(%dma_start3A_100 : memref<40x768xf32, #tpu.memory_space<hbm>>) target_semaphore(%arg25 : memref<!tpu.dma_semaphore, #tpu.memory_space<semaphore_mem>>)
      %add3A_101 = arith.constant 1 : i32
      %add3A_102 = arith.addi %add3A, %add3A_101 : i32
      %mul3A_103 = arith.constant 1000 : i32
      %mul3A_104 = arith.muli %mul3A_103, %add3A_102 : i32
      %add3A_105 = arith.constant 240 : i32
      %add3A_106 = arith.addi %mul3A_104, %add3A_105 : i32
      %multiple_of3A_107 = tpu.assume_multiple %add3A_106, 8 : i32
      %dma_start3A_108 = arith.constant 0 : i32
      %dma_start3A_109 = tpu.memref_slice %arg6[%multiple_of3A_107, %dma_start3A_108] : memref<77000x768xf32, #tpu.memory_space<hbm>> -> memref<40x768xf32, #tpu.memory_space<hbm>>
      %dma_start3A_110 = arith.constant 0 : i32
      %dma_start3A_111 = tpu.memref_slice %arg6[%multiple_of3A_107, %dma_start3A_110] : memref<77000x768xf32, #tpu.memory_space<hbm>> -> memref<40x768xf32, #tpu.memory_space<hbm>>
      tpu.enqueue_dma source(%arg9 : memref<40x768xf32, #tpu.memory_space<vmem>>) target(%dma_start3A_111 : memref<40x768xf32, #tpu.memory_space<hbm>>) target_semaphore(%arg25 : memref<!tpu.dma_semaphore, #tpu.memory_space<semaphore_mem>>)
      %add3A_112 = arith.constant 1 : i32
      %add3A_113 = arith.addi %add3A, %add3A_112 : i32
      %mul3A_114 = arith.constant 1000 : i32
      %mul3A_115 = arith.muli %mul3A_114, %add3A_113 : i32
      %add3A_116 = arith.constant 280 : i32
      %add3A_117 = arith.addi %mul3A_115, %add3A_116 : i32
      %multiple_of3A_118 = tpu.assume_multiple %add3A_117, 8 : i32
      %dma_start3A_119 = arith.constant 0 : i32
      %dma_start3A_120 = tpu.memref_slice %arg6[%multiple_of3A_118, %dma_start3A_119] : memref<77000x768xf32, #tpu.memory_space<hbm>> -> memref<40x768xf32, #tpu.memory_space<hbm>>
      %dma_start3A_121 = arith.constant 0 : i32
      %dma_start3A_122 = tpu.memref_slice %arg6[%multiple_of3A_118, %dma_start3A_121] : memref<77000x768xf32, #tpu.memory_space<hbm>> -> memref<40x768xf32, #tpu.memory_space<hbm>>
      tpu.enqueue_dma source(%arg9 : memref<40x768xf32, #tpu.memory_space<vmem>>) target(%dma_start3A_122 : memref<40x768xf32, #tpu.memory_space<hbm>>) target_semaphore(%arg25 : memref<!tpu.dma_semaphore, #tpu.memory_space<semaphore_mem>>)
      %add3A_123 = arith.constant 1 : i32
      %add3A_124 = arith.addi %add3A, %add3A_123 : i32
      %mul3A_125 = arith.constant 1000 : i32
      %mul3A_126 = arith.muli %mul3A_125, %add3A_124 : i32
      %add3A_127 = arith.constant 320 : i32
      %add3A_128 = arith.addi %mul3A_126, %add3A_127 : i32
      %multiple_of3A_129 = tpu.assume_multiple %add3A_128, 8 : i32
      %dma_start3A_130 = arith.constant 0 : i32
      %dma_start3A_131 = tpu.memref_slice %arg6[%multiple_of3A_129, %dma_start3A_130] : memref<77000x768xf32, #tpu.memory_space<hbm>> -> memref<40x768xf32, #tpu.memory_space<hbm>>
      %dma_start3A_132 = arith.constant 0 : i32
      %dma_start3A_133 = tpu.memref_slice %arg6[%multiple_of3A_129, %dma_start3A_132] : memref<77000x768xf32, #tpu.memory_space<hbm>> -> memref<40x768xf32, #tpu.memory_space<hbm>>
      tpu.enqueue_dma source(%arg9 : memref<40x768xf32, #tpu.memory_space<vmem>>) target(%dma_start3A_133 : memref<40x768xf32, #tpu.memory_space<hbm>>) target_semaphore(%arg25 : memref<!tpu.dma_semaphore, #tpu.memory_space<semaphore_mem>>)
      %add3A_134 = arith.constant 1 : i32
      %add3A_135 = arith.addi %add3A, %add3A_134 : i32
      %mul3A_136 = arith.constant 1000 : i32
      %mul3A_137 = arith.muli %mul3A_136, %add3A_135 : i32
      %add3A_138 = arith.constant 360 : i32
      %add3A_139 = arith.addi %mul3A_137, %add3A_138 : i32
      %multiple_of3A_140 = tpu.assume_multiple %add3A_139, 8 : i32
      %dma_start3A_141 = arith.constant 0 : i32
      %dma_start3A_142 = tpu.memref_slice %arg6[%multiple_of3A_140, %dma_start3A_141] : memref<77000x768xf32, #tpu.memory_space<hbm>> -> memref<40x768xf32, #tpu.memory_space<hbm>>
      %dma_start3A_143 = arith.constant 0 : i32
      %dma_start3A_144 = tpu.memref_slice %arg6[%multiple_of3A_140, %dma_start3A_143] : memref<77000x768xf32, #tpu.memory_space<hbm>> -> memref<40x768xf32, #tpu.memory_space<hbm>>
      tpu.enqueue_dma source(%arg9 : memref<40x768xf32, #tpu.memory_space<vmem>>) target(%dma_start3A_144 : memref<40x768xf32, #tpu.memory_space<hbm>>) target_semaphore(%arg25 : memref<!tpu.dma_semaphore, #tpu.memory_space<semaphore_mem>>)
      %add3A_145 = arith.constant 1 : i32
      %add3A_146 = arith.addi %add3A, %add3A_145 : i32
      %mul3A_147 = arith.constant 1000 : i32
      %mul3A_148 = arith.muli %mul3A_147, %add3A_146 : i32
      %add3A_149 = arith.constant 400 : i32
      %add3A_150 = arith.addi %mul3A_148, %add3A_149 : i32
      %multiple_of3A_151 = tpu.assume_multiple %add3A_150, 8 : i32
      %dma_start3A_152 = arith.constant 0 : i32
      %dma_start3A_153 = tpu.memref_slice %arg6[%multiple_of3A_151, %dma_start3A_152] : memref<77000x768xf32, #tpu.memory_space<hbm>> -> memref<40x768xf32, #tpu.memory_space<hbm>>
      %dma_start3A_154 = arith.constant 0 : i32
      %dma_start3A_155 = tpu.memref_slice %arg6[%multiple_of3A_151, %dma_start3A_154] : memref<77000x768xf32, #tpu.memory_space<hbm>> -> memref<40x768xf32, #tpu.memory_space<hbm>>
      tpu.enqueue_dma source(%arg9 : memref<40x768xf32, #tpu.memory_space<vmem>>) target(%dma_start3A_155 : memref<40x768xf32, #tpu.memory_space<hbm>>) target_semaphore(%arg25 : memref<!tpu.dma_semaphore, #tpu.memory_space<semaphore_mem>>)
      %add3A_156 = arith.constant 1 : i32
      %add3A_157 = arith.addi %add3A, %add3A_156 : i32
      %mul3A_158 = arith.constant 1000 : i32
      %mul3A_159 = arith.muli %mul3A_158, %add3A_157 : i32
      %add3A_160 = arith.constant 440 : i32
      %add3A_161 = arith.addi %mul3A_159, %add3A_160 : i32
      %multiple_of3A_162 = tpu.assume_multiple %add3A_161, 8 : i32
      %dma_start3A_163 = arith.constant 0 : i32
      %dma_start3A_164 = tpu.memref_slice %arg6[%multiple_of3A_162, %dma_start3A_163] : memref<77000x768xf32, #tpu.memory_space<hbm>> -> memref<40x768xf32, #tpu.memory_space<hbm>>
      %dma_start3A_165 = arith.constant 0 : i32
      %dma_start3A_166 = tpu.memref_slice %arg6[%multiple_of3A_162, %dma_start3A_165] : memref<77000x768xf32, #tpu.memory_space<hbm>> -> memref<40x768xf32, #tpu.memory_space<hbm>>
      tpu.enqueue_dma source(%arg9 : memref<40x768xf32, #tpu.memory_space<vmem>>) target(%dma_start3A_166 : memref<40x768xf32, #tpu.memory_space<hbm>>) target_semaphore(%arg25 : memref<!tpu.dma_semaphore, #tpu.memory_space<semaphore_mem>>)
      %add3A_167 = arith.constant 1 : i32
      %add3A_168 = arith.addi %add3A, %add3A_167 : i32
      %mul3A_169 = arith.constant 1000 : i32
      %mul3A_170 = arith.muli %mul3A_169, %add3A_168 : i32
      %add3A_171 = arith.constant 480 : i32
      %add3A_172 = arith.addi %mul3A_170, %add3A_171 : i32
      %multiple_of3A_173 = tpu.assume_multiple %add3A_172, 8 : i32
      %dma_start3A_174 = arith.constant 0 : i32
      %dma_start3A_175 = tpu.memref_slice %arg6[%multiple_of3A_173, %dma_start3A_174] : memref<77000x768xf32, #tpu.memory_space<hbm>> -> memref<40x768xf32, #tpu.memory_space<hbm>>
      %dma_start3A_176 = arith.constant 0 : i32
      %dma_start3A_177 = tpu.memref_slice %arg6[%multiple_of3A_173, %dma_start3A_176] : memref<77000x768xf32, #tpu.memory_space<hbm>> -> memref<40x768xf32, #tpu.memory_space<hbm>>
      tpu.enqueue_dma source(%arg9 : memref<40x768xf32, #tpu.memory_space<vmem>>) target(%dma_start3A_177 : memref<40x768xf32, #tpu.memory_space<hbm>>) target_semaphore(%arg25 : memref<!tpu.dma_semaphore, #tpu.memory_space<semaphore_mem>>)
      %add3A_178 = arith.constant 1 : i32
      %add3A_179 = arith.addi %add3A, %add3A_178 : i32
      %mul3A_180 = arith.constant 1000 : i32
      %mul3A_181 = arith.muli %mul3A_180, %add3A_179 : i32
      %add3A_182 = arith.constant 520 : i32
      %add3A_183 = arith.addi %mul3A_181, %add3A_182 : i32
      %multiple_of3A_184 = tpu.assume_multiple %add3A_183, 8 : i32
      %dma_start3A_185 = arith.constant 0 : i32
      %dma_start3A_186 = tpu.memref_slice %arg6[%multiple_of3A_184, %dma_start3A_185] : memref<77000x768xf32, #tpu.memory_space<hbm>> -> memref<40x768xf32, #tpu.memory_space<hbm>>
      %dma_start3A_187 = arith.constant 0 : i32
      %dma_start3A_188 = tpu.memref_slice %arg6[%multiple_of3A_184, %dma_start3A_187] : memref<77000x768xf32, #tpu.memory_space<hbm>> -> memref<40x768xf32, #tpu.memory_space<hbm>>
      tpu.enqueue_dma source(%arg9 : memref<40x768xf32, #tpu.memory_space<vmem>>) target(%dma_start3A_188 : memref<40x768xf32, #tpu.memory_space<hbm>>) target_semaphore(%arg25 : memref<!tpu.dma_semaphore, #tpu.memory_space<semaphore_mem>>)
      %add3A_189 = arith.constant 1 : i32
      %add3A_190 = arith.addi %add3A, %add3A_189 : i32
      %mul3A_191 = arith.constant 1000 : i32
      %mul3A_192 = arith.muli %mul3A_191, %add3A_190 : i32
      %add3A_193 = arith.constant 560 : i32
      %add3A_194 = arith.addi %mul3A_192, %add3A_193 : i32
      %multiple_of3A_195 = tpu.assume_multiple %add3A_194, 8 : i32
      %dma_start3A_196 = arith.constant 0 : i32
      %dma_start3A_197 = tpu.memref_slice %arg6[%multiple_of3A_195, %dma_start3A_196] : memref<77000x768xf32, #tpu.memory_space<hbm>> -> memref<40x768xf32, #tpu.memory_space<hbm>>
      %dma_start3A_198 = arith.constant 0 : i32
      %dma_start3A_199 = tpu.memref_slice %arg6[%multiple_of3A_195, %dma_start3A_198] : memref<77000x768xf32, #tpu.memory_space<hbm>> -> memref<40x768xf32, #tpu.memory_space<hbm>>
      tpu.enqueue_dma source(%arg9 : memref<40x768xf32, #tpu.memory_space<vmem>>) target(%dma_start3A_199 : memref<40x768xf32, #tpu.memory_space<hbm>>) target_semaphore(%arg25 : memref<!tpu.dma_semaphore, #tpu.memory_space<semaphore_mem>>)
      %add3A_200 = arith.constant 1 : i32
      %add3A_201 = arith.addi %add3A, %add3A_200 : i32
      %mul3A_202 = arith.constant 1000 : i32
      %mul3A_203 = arith.muli %mul3A_202, %add3A_201 : i32
      %add3A_204 = arith.constant 600 : i32
      %add3A_205 = arith.addi %mul3A_203, %add3A_204 : i32
      %multiple_of3A_206 = tpu.assume_multiple %add3A_205, 8 : i32
      %dma_start3A_207 = arith.constant 0 : i32
      %dma_start3A_208 = tpu.memref_slice %arg6[%multiple_of3A_206, %dma_start3A_207] : memref<77000x768xf32, #tpu.memory_space<hbm>> -> memref<40x768xf32, #tpu.memory_space<hbm>>
      %dma_start3A_209 = arith.constant 0 : i32
      %dma_start3A_210 = tpu.memref_slice %arg6[%multiple_of3A_206, %dma_start3A_209] : memref<77000x768xf32, #tpu.memory_space<hbm>> -> memref<40x768xf32, #tpu.memory_space<hbm>>
      tpu.enqueue_dma source(%arg9 : memref<40x768xf32, #tpu.memory_space<vmem>>) target(%dma_start3A_210 : memref<40x768xf32, #tpu.memory_space<hbm>>) target_semaphore(%arg25 : memref<!tpu.dma_semaphore, #tpu.memory_space<semaphore_mem>>)
      %add3A_211 = arith.constant 1 : i32
      %add3A_212 = arith.addi %add3A, %add3A_211 : i32
      %mul3A_213 = arith.constant 1000 : i32
      %mul3A_214 = arith.muli %mul3A_213, %add3A_212 : i32
      %add3A_215 = arith.constant 640 : i32
      %add3A_216 = arith.addi %mul3A_214, %add3A_215 : i32
      %multiple_of3A_217 = tpu.assume_multiple %add3A_216, 8 : i32
      %dma_start3A_218 = arith.constant 0 : i32
      %dma_start3A_219 = tpu.memref_slice %arg6[%multiple_of3A_217, %dma_start3A_218] : memref<77000x768xf32, #tpu.memory_space<hbm>> -> memref<40x768xf32, #tpu.memory_space<hbm>>
      %dma_start3A_220 = arith.constant 0 : i32
      %dma_start3A_221 = tpu.memref_slice %arg6[%multiple_of3A_217, %dma_start3A_220] : memref<77000x768xf32, #tpu.memory_space<hbm>> -> memref<40x768xf32, #tpu.memory_space<hbm>>
      tpu.enqueue_dma source(%arg9 : memref<40x768xf32, #tpu.memory_space<vmem>>) target(%dma_start3A_221 : memref<40x768xf32, #tpu.memory_space<hbm>>) target_semaphore(%arg25 : memref<!tpu.dma_semaphore, #tpu.memory_space<semaphore_mem>>)
      %add3A_222 = arith.constant 1 : i32
      %add3A_223 = arith.addi %add3A, %add3A_222 : i32
      %mul3A_224 = arith.constant 1000 : i32
      %mul3A_225 = arith.muli %mul3A_224, %add3A_223 : i32
      %add3A_226 = arith.constant 680 : i32
      %add3A_227 = arith.addi %mul3A_225, %add3A_226 : i32
      %multiple_of3A_228 = tpu.assume_multiple %add3A_227, 8 : i32
      %dma_start3A_229 = arith.constant 0 : i32
      %dma_start3A_230 = tpu.memref_slice %arg6[%multiple_of3A_228, %dma_start3A_229] : memref<77000x768xf32, #tpu.memory_space<hbm>> -> memref<40x768xf32, #tpu.memory_space<hbm>>
      %dma_start3A_231 = arith.constant 0 : i32
      %dma_start3A_232 = tpu.memref_slice %arg6[%multiple_of3A_228, %dma_start3A_231] : memref<77000x768xf32, #tpu.memory_space<hbm>> -> memref<40x768xf32, #tpu.memory_space<hbm>>
      tpu.enqueue_dma source(%arg9 : memref<40x768xf32, #tpu.memory_space<vmem>>) target(%dma_start3A_232 : memref<40x768xf32, #tpu.memory_space<hbm>>) target_semaphore(%arg25 : memref<!tpu.dma_semaphore, #tpu.memory_space<semaphore_mem>>)
      %add3A_233 = arith.constant 1 : i32
      %add3A_234 = arith.addi %add3A, %add3A_233 : i32
      %mul3A_235 = arith.constant 1000 : i32
      %mul3A_236 = arith.muli %mul3A_235, %add3A_234 : i32
      %add3A_237 = arith.constant 720 : i32
      %add3A_238 = arith.addi %mul3A_236, %add3A_237 : i32
      %multiple_of3A_239 = tpu.assume_multiple %add3A_238, 8 : i32
      %dma_start3A_240 = arith.constant 0 : i32
      %dma_start3A_241 = tpu.memref_slice %arg6[%multiple_of3A_239, %dma_start3A_240] : memref<77000x768xf32, #tpu.memory_space<hbm>> -> memref<40x768xf32, #tpu.memory_space<hbm>>
      %dma_start3A_242 = arith.constant 0 : i32
      %dma_start3A_243 = tpu.memref_slice %arg6[%multiple_of3A_239, %dma_start3A_242] : memref<77000x768xf32, #tpu.memory_space<hbm>> -> memref<40x768xf32, #tpu.memory_space<hbm>>
      tpu.enqueue_dma source(%arg9 : memref<40x768xf32, #tpu.memory_space<vmem>>) target(%dma_start3A_243 : memref<40x768xf32, #tpu.memory_space<hbm>>) target_semaphore(%arg25 : memref<!tpu.dma_semaphore, #tpu.memory_space<semaphore_mem>>)
      %add3A_244 = arith.constant 1 : i32
      %add3A_245 = arith.addi %add3A, %add3A_244 : i32
      %mul3A_246 = arith.constant 1000 : i32
      %mul3A_247 = arith.muli %mul3A_246, %add3A_245 : i32
      %add3A_248 = arith.constant 760 : i32
      %add3A_249 = arith.addi %mul3A_247, %add3A_248 : i32
      %multiple_of3A_250 = tpu.assume_multiple %add3A_249, 8 : i32
      %dma_start3A_251 = arith.constant 0 : i32
      %dma_start3A_252 = tpu.memref_slice %arg6[%multiple_of3A_250, %dma_start3A_251] : memref<77000x768xf32, #tpu.memory_space<hbm>> -> memref<40x768xf32, #tpu.memory_space<hbm>>
      %dma_start3A_253 = arith.constant 0 : i32
      %dma_start3A_254 = tpu.memref_slice %arg6[%multiple_of3A_250, %dma_start3A_253] : memref<77000x768xf32, #tpu.memory_space<hbm>> -> memref<40x768xf32, #tpu.memory_space<hbm>>
      tpu.enqueue_dma source(%arg9 : memref<40x768xf32, #tpu.memory_space<vmem>>) target(%dma_start3A_254 : memref<40x768xf32, #tpu.memory_space<hbm>>) target_semaphore(%arg25 : memref<!tpu.dma_semaphore, #tpu.memory_space<semaphore_mem>>)
      %add3A_255 = arith.constant 1 : i32
      %add3A_256 = arith.addi %add3A, %add3A_255 : i32
      %mul3A_257 = arith.constant 1000 : i32
      %mul3A_258 = arith.muli %mul3A_257, %add3A_256 : i32
      %add3A_259 = arith.constant 800 : i32
      %add3A_260 = arith.addi %mul3A_258, %add3A_259 : i32
      %multiple_of3A_261 = tpu.assume_multiple %add3A_260, 8 : i32
      %dma_start3A_262 = arith.constant 0 : i32
      %dma_start3A_263 = tpu.memref_slice %arg6[%multiple_of3A_261, %dma_start3A_262] : memref<77000x768xf32, #tpu.memory_space<hbm>> -> memref<40x768xf32, #tpu.memory_space<hbm>>
      %dma_start3A_264 = arith.constant 0 : i32
      %dma_start3A_265 = tpu.memref_slice %arg6[%multiple_of3A_261, %dma_start3A_264] : memref<77000x768xf32, #tpu.memory_space<hbm>> -> memref<40x768xf32, #tpu.memory_space<hbm>>
      tpu.enqueue_dma source(%arg9 : memref<40x768xf32, #tpu.memory_space<vmem>>) target(%dma_start3A_265 : memref<40x768xf32, #tpu.memory_space<hbm>>) target_semaphore(%arg25 : memref<!tpu.dma_semaphore, #tpu.memory_space<semaphore_mem>>)
      %add3A_266 = arith.constant 1 : i32
      %add3A_267 = arith.addi %add3A, %add3A_266 : i32
      %mul3A_268 = arith.constant 1000 : i32
      %mul3A_269 = arith.muli %mul3A_268, %add3A_267 : i32
      %add3A_270 = arith.constant 840 : i32
      %add3A_271 = arith.addi %mul3A_269, %add3A_270 : i32
      %multiple_of3A_272 = tpu.assume_multiple %add3A_271, 8 : i32
      %dma_start3A_273 = arith.constant 0 : i32
      %dma_start3A_274 = tpu.memref_slice %arg6[%multiple_of3A_272, %dma_start3A_273] : memref<77000x768xf32, #tpu.memory_space<hbm>> -> memref<40x768xf32, #tpu.memory_space<hbm>>
      %dma_start3A_275 = arith.constant 0 : i32
      %dma_start3A_276 = tpu.memref_slice %arg6[%multiple_of3A_272, %dma_start3A_275] : memref<77000x768xf32, #tpu.memory_space<hbm>> -> memref<40x768xf32, #tpu.memory_space<hbm>>
      tpu.enqueue_dma source(%arg9 : memref<40x768xf32, #tpu.memory_space<vmem>>) target(%dma_start3A_276 : memref<40x768xf32, #tpu.memory_space<hbm>>) target_semaphore(%arg25 : memref<!tpu.dma_semaphore, #tpu.memory_space<semaphore_mem>>)
      %add3A_277 = arith.constant 1 : i32
      %add3A_278 = arith.addi %add3A, %add3A_277 : i32
      %mul3A_279 = arith.constant 1000 : i32
      %mul3A_280 = arith.muli %mul3A_279, %add3A_278 : i32
      %add3A_281 = arith.constant 880 : i32
      %add3A_282 = arith.addi %mul3A_280, %add3A_281 : i32
      %multiple_of3A_283 = tpu.assume_multiple %add3A_282, 8 : i32
      %dma_start3A_284 = arith.constant 0 : i32
      %dma_start3A_285 = tpu.memref_slice %arg6[%multiple_of3A_283, %dma_start3A_284] : memref<77000x768xf32, #tpu.memory_space<hbm>> -> memref<40x768xf32, #tpu.memory_space<hbm>>
      %dma_start3A_286 = arith.constant 0 : i32
      %dma_start3A_287 = tpu.memref_slice %arg6[%multiple_of3A_283, %dma_start3A_286] : memref<77000x768xf32, #tpu.memory_space<hbm>> -> memref<40x768xf32, #tpu.memory_space<hbm>>
      tpu.enqueue_dma source(%arg9 : memref<40x768xf32, #tpu.memory_space<vmem>>) target(%dma_start3A_287 : memref<40x768xf32, #tpu.memory_space<hbm>>) target_semaphore(%arg25 : memref<!tpu.dma_semaphore, #tpu.memory_space<semaphore_mem>>)
      %add3A_288 = arith.constant 1 : i32
      %add3A_289 = arith.addi %add3A, %add3A_288 : i32
      %mul3A_290 = arith.constant 1000 : i32
      %mul3A_291 = arith.muli %mul3A_290, %add3A_289 : i32
      %add3A_292 = arith.constant 920 : i32
      %add3A_293 = arith.addi %mul3A_291, %add3A_292 : i32
      %multiple_of3A_294 = tpu.assume_multiple %add3A_293, 8 : i32
      %dma_start3A_295 = arith.constant 0 : i32
      %dma_start3A_296 = tpu.memref_slice %arg6[%multiple_of3A_294, %dma_start3A_295] : memref<77000x768xf32, #tpu.memory_space<hbm>> -> memref<40x768xf32, #tpu.memory_space<hbm>>
      %dma_start3A_297 = arith.constant 0 : i32
      %dma_start3A_298 = tpu.memref_slice %arg6[%multiple_of3A_294, %dma_start3A_297] : memref<77000x768xf32, #tpu.memory_space<hbm>> -> memref<40x768xf32, #tpu.memory_space<hbm>>
      tpu.enqueue_dma source(%arg9 : memref<40x768xf32, #tpu.memory_space<vmem>>) target(%dma_start3A_298 : memref<40x768xf32, #tpu.memory_space<hbm>>) target_semaphore(%arg25 : memref<!tpu.dma_semaphore, #tpu.memory_space<semaphore_mem>>)
      %add3A_299 = arith.constant 1 : i32
      %add3A_300 = arith.addi %add3A, %add3A_299 : i32
      %mul3A_301 = arith.constant 1000 : i32
      %mul3A_302 = arith.muli %mul3A_301, %add3A_300 : i32
      %add3A_303 = arith.constant 960 : i32
      %add3A_304 = arith.addi %mul3A_302, %add3A_303 : i32
      %multiple_of3A_305 = tpu.assume_multiple %add3A_304, 8 : i32
      %dma_start3A_306 = arith.constant 0 : i32
      %dma_start3A_307 = tpu.memref_slice %arg6[%multiple_of3A_305, %dma_start3A_306] : memref<77000x768xf32, #tpu.memory_space<hbm>> -> memref<40x768xf32, #tpu.memory_space<hbm>>
      %dma_start3A_308 = arith.constant 0 : i32
      %dma_start3A_309 = tpu.memref_slice %arg6[%multiple_of3A_305, %dma_start3A_308] : memref<77000x768xf32, #tpu.memory_space<hbm>> -> memref<40x768xf32, #tpu.memory_space<hbm>>
      tpu.enqueue_dma source(%arg9 : memref<40x768xf32, #tpu.memory_space<vmem>>) target(%dma_start3A_309 : memref<40x768xf32, #tpu.memory_space<hbm>>) target_semaphore(%arg25 : memref<!tpu.dma_semaphore, #tpu.memory_space<semaphore_mem>>)
    } else {
    }
    %scan3A = arith.constant 0 : i32
    %scan3A_27 = arith.constant 0 : i32
    %scan3A_28 = arith.constant 32 : i32
    %scan3A_29 = arith.addi %scan3A_27, %scan3A_28 : i32
    %scan3A_30 = arith.constant 1 : i32
    scf.for %scan3A_37 = %scan3A_27 to %scan3A_29 step %scan3A_30  : i32 {
      %mul3A_38 = arith.constant 5 : i32
      %mul3A_39 = arith.muli %mul3A_38, %scan3A_37 : i32
      %add3A_40 = arith.constant 0 : i32
      %add3A_41 = arith.addi %mul3A_39, %add3A_40 : i32
      %ge3A = arith.constant 5 : i32
      %ge3A_42 = arith.cmpi sge, %add3A_41, %ge3A : i32
      %sub3A_43 = arith.constant 5 : i32
      %sub3A_44 = arith.subi %add3A_41, %sub3A_43 : i32
      %lt3A_45 = arith.cmpi slt, %sub3A_44, %min3A : i32
      %add3A_46 = arith.addi %select_n3A, %sub3A_44 : i32
      %ne3A = arith.constant 63 : i32
      %ne3A_47 = arith.cmpi ne, %add3A_46, %ne3A : i32
      %and3A = arith.andi %lt3A_45, %ne3A_47 : i1
      %and3A_48 = arith.andi %ge3A_42, %and3A : i1
      %convert_element_type3A_49 = arith.extui %and3A_48 : i1 to i32
      %cond3A_50 = arith.constant 0 : i32
      %cond3A_51 = arith.cmpi ne, %convert_element_type3A_49, %cond3A_50 : i32
      scf.if %cond3A_51 {
        %add3A_225 = arith.addi %select_n3A, %add3A_41 : i32
        %sub3A_226 = arith.constant 5 : i32
        %sub3A_227 = arith.subi %add3A_225, %sub3A_226 : i32
        %lt3A_228 = arith.constant 62 : i32
        %lt3A_229 = arith.cmpi slt, %sub3A_227, %lt3A_228 : i32
        %mul3A_230 = arith.constant 16 : i32
        %mul3A_231 = arith.muli %mul3A_230, %sub3A_227 : i32
        %mul3A_232 = arith.constant 16 : i32
        %mul3A_233 = arith.muli %mul3A_232, %sub3A_227 : i32
        %add3A_234 = arith.constant 17000 : i32
        %add3A_235 = arith.addi %mul3A_233, %add3A_234 : i32
        %sub3A_236 = arith.constant 1024 : i32
        %sub3A_237 = arith.subi %add3A_235, %sub3A_236 : i32
        %select_n3A_238 = arith.select %lt3A_229, %mul3A_231, %sub3A_237 : i32
        %multiple_of3A = tpu.assume_multiple %select_n3A_238, 8 : i32
        %eq3A_239 = arith.constant 62 : i32
        %eq3A_240 = arith.cmpi eq, %sub3A_227, %eq3A_239 : i32
        %convert_element_type3A_241 = arith.extui %eq3A_240 : i1 to i32
        %cond3A_242 = arith.constant 0 : i32
        %cond3A_243 = arith.cmpi ne, %convert_element_type3A_241, %cond3A_242 : i32
        scf.if %cond3A_243 {
          %dma_wait3A = arith.constant 0 : i32
          %dma_wait3A_249 = arith.constant 0 : i32
          %dma_wait3A_250 = tpu.memref_slice %arg10[%dma_wait3A, %dma_wait3A_249] : memref<16x768xf32, #tpu.memory_space<vmem>> -> memref<8x768xf32, #tpu.memory_space<vmem>>
          %dma_wait3A_251 = arith.constant 992 : i32
          %dma_wait3A_252 = arith.constant 0 : i32
          %dma_wait3A_253 = tpu.memref_slice %arg6[%dma_wait3A_251, %dma_wait3A_252] : memref<77000x768xf32, #tpu.memory_space<hbm>> -> memref<8x768xf32, #tpu.memory_space<hbm>>
          %dma_wait3A_254 = arith.constant 992 : i32
          %dma_wait3A_255 = arith.constant 0 : i32
          %dma_wait3A_256 = tpu.memref_slice %arg6[%dma_wait3A_254, %dma_wait3A_255] : memref<77000x768xf32, #tpu.memory_space<hbm>> -> memref<8x768xf32, #tpu.memory_space<hbm>>
          %dma_wait3A_257 = arith.constant 0 : i32
          %dma_wait3A_258 = arith.constant 0 : i32
          %dma_wait3A_259 = tpu.memref_slice %arg10[%dma_wait3A_257, %dma_wait3A_258] : memref<16x768xf32, #tpu.memory_space<vmem>> -> memref<8x768xf32, #tpu.memory_space<vmem>>
          tpu.wait_dma2 semaphore(%arg20 : memref<!tpu.dma_semaphore, #tpu.memory_space<semaphore_mem>>) src(%dma_wait3A_259 : memref<8x768xf32, #tpu.memory_space<vmem>>) dst(%dma_wait3A_256 : memref<8x768xf32, #tpu.memory_space<hbm>>)
        } else {
        }
        %ne3A_244 = arith.constant 62 : i32
        %ne3A_245 = arith.cmpi ne, %sub3A_227, %ne3A_244 : i32
        %convert_element_type3A_246 = arith.extui %ne3A_245 : i1 to i32
        %cond3A_247 = arith.constant 0 : i32
        %cond3A_248 = arith.cmpi ne, %convert_element_type3A_246, %cond3A_247 : i32
        scf.if %cond3A_248 {
          %dma_wait3A = arith.constant 0 : i32
          %dma_wait3A_249 = tpu.memref_slice %arg6[%multiple_of3A, %dma_wait3A] : memref<77000x768xf32, #tpu.memory_space<hbm>> -> memref<16x768xf32, #tpu.memory_space<hbm>>
          %dma_wait3A_250 = arith.constant 0 : i32
          %dma_wait3A_251 = tpu.memref_slice %arg6[%multiple_of3A, %dma_wait3A_250] : memref<77000x768xf32, #tpu.memory_space<hbm>> -> memref<16x768xf32, #tpu.memory_space<hbm>>
          tpu.wait_dma2 semaphore(%arg20 : memref<!tpu.dma_semaphore, #tpu.memory_space<semaphore_mem>>) src(%arg10 : memref<16x768xf32, #tpu.memory_space<vmem>>) dst(%dma_wait3A_251 : memref<16x768xf32, #tpu.memory_space<hbm>>)
        } else {
        }
      } else {
      }
      %ge3A_52 = arith.constant 3 : i32
      %ge3A_53 = arith.cmpi sge, %add3A_41, %ge3A_52 : i32
      %sub3A_54 = arith.constant 3 : i32
      %sub3A_55 = arith.subi %add3A_41, %sub3A_54 : i32
      %lt3A_56 = arith.cmpi slt, %sub3A_55, %min3A : i32
      %add3A_57 = arith.addi %select_n3A, %sub3A_55 : i32
      %ne3A_58 = arith.constant 63 : i32
      %ne3A_59 = arith.cmpi ne, %add3A_57, %ne3A_58 : i32
      %and3A_60 = arith.andi %lt3A_56, %ne3A_59 : i1
      %and3A_61 = arith.andi %ge3A_53, %and3A_60 : i1
      %convert_element_type3A_62 = arith.extui %and3A_61 : i1 to i32
      %cond3A_63 = arith.constant 0 : i32
      %cond3A_64 = arith.cmpi ne, %convert_element_type3A_62, %cond3A_63 : i32
      scf.if %cond3A_64 {
        %dma_wait3A = arith.constant 0 : i32
        %dma_wait3A_225 = arith.constant 0 : i32
        %dma_wait3A_226 = tpu.memref_slice %arg4[%dma_wait3A, %dma_wait3A_225] : memref<49408x768xf32, #tpu.memory_space<hbm>> -> memref<16x768xf32, #tpu.memory_space<hbm>>
        %dma_wait3A_227 = arith.constant 0 : i32
        %dma_wait3A_228 = arith.constant 0 : i32
        %dma_wait3A_229 = tpu.memref_slice %arg4[%dma_wait3A_227, %dma_wait3A_228] : memref<49408x768xf32, #tpu.memory_space<hbm>> -> memref<16x768xf32, #tpu.memory_space<hbm>>
        tpu.wait_dma2 semaphore(%arg17 : memref<!tpu.dma_semaphore, #tpu.memory_space<semaphore_mem>>) src(%dma_wait3A_229 : memref<16x768xf32, #tpu.memory_space<hbm>>) dst(%arg12 : memref<16x768xf32, #tpu.memory_space<vmem>>)
        %add3A_230 = arith.addi %select_n3A, %add3A_41 : i32
        %sub3A_231 = arith.constant 3 : i32
        %sub3A_232 = arith.subi %add3A_230, %sub3A_231 : i32
        %lt3A_233 = arith.constant 62 : i32
        %lt3A_234 = arith.cmpi slt, %sub3A_232, %lt3A_233 : i32
        %mul3A_235 = arith.constant 16 : i32
        %mul3A_236 = arith.muli %mul3A_235, %sub3A_232 : i32
        %mul3A_237 = arith.constant 16 : i32
        %mul3A_238 = arith.muli %mul3A_237, %sub3A_232 : i32
        %add3A_239 = arith.constant 17000 : i32
        %add3A_240 = arith.addi %mul3A_238, %add3A_239 : i32
        %sub3A_241 = arith.constant 1024 : i32
        %sub3A_242 = arith.subi %add3A_240, %sub3A_241 : i32
        %select_n3A_243 = arith.select %lt3A_234, %mul3A_236, %sub3A_242 : i32
        %multiple_of3A = tpu.assume_multiple %select_n3A_243, 8 : i32
        %eq3A_244 = arith.constant 62 : i32
        %eq3A_245 = arith.cmpi eq, %sub3A_232, %eq3A_244 : i32
        %convert_element_type3A_246 = arith.extui %eq3A_245 : i1 to i32
        %cond3A_247 = arith.constant 0 : i32
        %cond3A_248 = arith.cmpi ne, %convert_element_type3A_246, %cond3A_247 : i32
        scf.if %cond3A_248 {
          %dma_start3A = arith.constant 0 : i32
          %dma_start3A_254 = arith.constant 0 : i32
          %dma_start3A_255 = tpu.memref_slice %arg12[%dma_start3A, %dma_start3A_254] : memref<16x768xf32, #tpu.memory_space<vmem>> -> memref<8x768xf32, #tpu.memory_space<vmem>>
          %dma_start3A_256 = arith.constant 992 : i32
          %dma_start3A_257 = arith.constant 0 : i32
          %dma_start3A_258 = tpu.memref_slice %arg6[%dma_start3A_256, %dma_start3A_257] : memref<77000x768xf32, #tpu.memory_space<hbm>> -> memref<8x768xf32, #tpu.memory_space<hbm>>
          %dma_start3A_259 = arith.constant 992 : i32
          %dma_start3A_260 = arith.constant 0 : i32
          %dma_start3A_261 = tpu.memref_slice %arg6[%dma_start3A_259, %dma_start3A_260] : memref<77000x768xf32, #tpu.memory_space<hbm>> -> memref<8x768xf32, #tpu.memory_space<hbm>>
          %dma_start3A_262 = arith.constant 0 : i32
          %dma_start3A_263 = arith.constant 0 : i32
          %dma_start3A_264 = tpu.memref_slice %arg12[%dma_start3A_262, %dma_start3A_263] : memref<16x768xf32, #tpu.memory_space<vmem>> -> memref<8x768xf32, #tpu.memory_space<vmem>>
          tpu.enqueue_dma source(%dma_start3A_264 : memref<8x768xf32, #tpu.memory_space<vmem>>) target(%dma_start3A_261 : memref<8x768xf32, #tpu.memory_space<hbm>>) target_semaphore(%arg22 : memref<!tpu.dma_semaphore, #tpu.memory_space<semaphore_mem>>)
        } else {
        }
        %ne3A_249 = arith.constant 62 : i32
        %ne3A_250 = arith.cmpi ne, %sub3A_232, %ne3A_249 : i32
        %convert_element_type3A_251 = arith.extui %ne3A_250 : i1 to i32
        %cond3A_252 = arith.constant 0 : i32
        %cond3A_253 = arith.cmpi ne, %convert_element_type3A_251, %cond3A_252 : i32
        scf.if %cond3A_253 {
          %dma_start3A = arith.constant 0 : i32
          %dma_start3A_254 = tpu.memref_slice %arg6[%multiple_of3A, %dma_start3A] : memref<77000x768xf32, #tpu.memory_space<hbm>> -> memref<16x768xf32, #tpu.memory_space<hbm>>
          %dma_start3A_255 = arith.constant 0 : i32
          %dma_start3A_256 = tpu.memref_slice %arg6[%multiple_of3A, %dma_start3A_255] : memref<77000x768xf32, #tpu.memory_space<hbm>> -> memref<16x768xf32, #tpu.memory_space<hbm>>
          tpu.enqueue_dma source(%arg12 : memref<16x768xf32, #tpu.memory_space<vmem>>) target(%dma_start3A_256 : memref<16x768xf32, #tpu.memory_space<hbm>>) target_semaphore(%arg22 : memref<!tpu.dma_semaphore, #tpu.memory_space<semaphore_mem>>)
        } else {
        }
      } else {
      }
      %lt3A_65 = arith.cmpi slt, %add3A_41, %min3A : i32
      %add3A_66 = arith.addi %select_n3A, %add3A_41 : i32
      %ne3A_67 = arith.constant 63 : i32
      %ne3A_68 = arith.cmpi ne, %add3A_66, %ne3A_67 : i32
      %and3A_69 = arith.andi %lt3A_65, %ne3A_68 : i1
      %convert_element_type3A_70 = arith.extui %and3A_69 : i1 to i32
      %cond3A_71 = arith.constant 0 : i32
      %cond3A_72 = arith.cmpi ne, %convert_element_type3A_70, %cond3A_71 : i32
      scf.if %cond3A_72 {
        %add3A_225 = arith.addi %select_n3A, %add3A_41 : i32
        %lt3A_226 = arith.constant 64 : i32
        %lt3A_227 = arith.cmpi slt, %add3A_225, %lt3A_226 : i32
        %convert_element_type3A_228 = arith.extui %lt3A_227 : i1 to i32
        %cond3A_229 = arith.constant 0 : i32
        %cond3A_230 = arith.cmpi ne, %convert_element_type3A_228, %cond3A_229 : i32
        scf.if %cond3A_230 {
          %get3A = arith.index_cast %add3A_41 : i32 to index
          %get3A_236 = arith.constant 0 : index
          %get3A_237 = tpu.vector_load %arg7[%get3A, %get3A_236] {strides = array<i32>} : memref<64x16xi32, #tpu.memory_space<vmem>>, vector<1x16xi32>,
          %get3A_238 = vector.shape_cast %get3A_237 : vector<1x16xi32> to vector<16xi32>
          %dma_start3A = arith.constant 0 : i32
          %dma_start3A_239 = arith.constant 0 : i32
          %dma_start3A_240 = tpu.memref_slice %arg4[%dma_start3A, %dma_start3A_239] : memref<49408x768xf32, #tpu.memory_space<hbm>> -> memref<49408x768xf32, #tpu.memory_space<hbm>>
          tpu.enqueue_indirect_dma source(%dma_start3A_240 : memref<49408x768xf32, #tpu.memory_space<hbm>>) target(%arg10 : memref<16x768xf32, #tpu.memory_space<vmem>>) offsets(%get3A_238 : vector<16xi32>) semaphore(%arg15 : memref<!tpu.dma_semaphore, #tpu.memory_space<semaphore_mem>>)
        } else {
        }
        %ge3A_231 = arith.constant 64 : i32
        %ge3A_232 = arith.cmpi sge, %add3A_225, %ge3A_231 : i32
        %convert_element_type3A_233 = arith.extui %ge3A_232 : i1 to i32
        %cond3A_234 = arith.constant 0 : i32
        %cond3A_235 = arith.cmpi ne, %convert_element_type3A_233, %cond3A_234 : i32
        scf.if %cond3A_235 {
          %eq3A_236 = arith.constant 0 : i32
          %eq3A_237 = arith.cmpi eq, %add3A, %eq3A_236 : i32
          %sub3A_238 = arith.constant 64 : i32
          %sub3A_239 = arith.subi %add3A_41, %sub3A_238 : i32
          %select_n3A_240 = arith.select %eq3A_237, %sub3A_239, %add3A_41 : i32
          %get3A = arith.index_cast %select_n3A_240 : i32 to index
          %get3A_241 = arith.constant 0 : index
          %get3A_242 = tpu.vector_load %arg8[%get3A, %get3A_241] {strides = array<i32>} : memref<152x16xi32, #tpu.memory_space<vmem>>, vector<1x16xi32>,
          %get3A_243 = vector.shape_cast %get3A_242 : vector<1x16xi32> to vector<16xi32>
          %dma_start3A = arith.constant 0 : i32
          %dma_start3A_244 = arith.constant 0 : i32
          %dma_start3A_245 = tpu.memref_slice %arg4[%dma_start3A, %dma_start3A_244] : memref<49408x768xf32, #tpu.memory_space<hbm>> -> memref<49408x768xf32, #tpu.memory_space<hbm>>
          tpu.enqueue_indirect_dma source(%dma_start3A_245 : memref<49408x768xf32, #tpu.memory_space<hbm>>) target(%arg10 : memref<16x768xf32, #tpu.memory_space<vmem>>) offsets(%get3A_243 : vector<16xi32>) semaphore(%arg15 : memref<!tpu.dma_semaphore, #tpu.memory_space<semaphore_mem>>)
        } else {
        }
      } else {
      }
      %mul3A_73 = arith.constant 5 : i32
      %mul3A_74 = arith.muli %mul3A_73, %scan3A_37 : i32
      %add3A_75 = arith.constant 1 : i32
      %add3A_76 = arith.addi %mul3A_74, %add3A_75 : i32
      %ge3A_77 = arith.constant 5 : i32
      %ge3A_78 = arith.cmpi sge, %add3A_76, %ge3A_77 : i32
      %sub3A_79 = arith.constant 5 : i32
      %sub3A_80 = arith.subi %add3A_76, %sub3A_79 : i32
      %lt3A_81 = arith.cmpi slt, %sub3A_80, %min3A : i32
      %add3A_82 = arith.addi %select_n3A, %sub3A_80 : i32
      %ne3A_83 = arith.constant 63 : i32
      %ne3A_84 = arith.cmpi ne, %add3A_82, %ne3A_83 : i32
      %and3A_85 = arith.andi %lt3A_81, %ne3A_84 : i1
      %and3A_86 = arith.andi %ge3A_78, %and3A_85 : i1
      %convert_element_type3A_87 = arith.extui %and3A_86 : i1 to i32
      %cond3A_88 = arith.constant 0 : i32
      %cond3A_89 = arith.cmpi ne, %convert_element_type3A_87, %cond3A_88 : i32
      scf.if %cond3A_89 {
        %add3A_225 = arith.addi %select_n3A, %add3A_76 : i32
        %sub3A_226 = arith.constant 5 : i32
        %sub3A_227 = arith.subi %add3A_225, %sub3A_226 : i32
        %lt3A_228 = arith.constant 62 : i32
        %lt3A_229 = arith.cmpi slt, %sub3A_227, %lt3A_228 : i32
        %mul3A_230 = arith.constant 16 : i32
        %mul3A_231 = arith.muli %mul3A_230, %sub3A_227 : i32
        %mul3A_232 = arith.constant 16 : i32
        %mul3A_233 = arith.muli %mul3A_232, %sub3A_227 : i32
        %add3A_234 = arith.constant 17000 : i32
        %add3A_235 = arith.addi %mul3A_233, %add3A_234 : i32
        %sub3A_236 = arith.constant 1024 : i32
        %sub3A_237 = arith.subi %add3A_235, %sub3A_236 : i32
        %select_n3A_238 = arith.select %lt3A_229, %mul3A_231, %sub3A_237 : i32
        %multiple_of3A = tpu.assume_multiple %select_n3A_238, 8 : i32
        %eq3A_239 = arith.constant 62 : i32
        %eq3A_240 = arith.cmpi eq, %sub3A_227, %eq3A_239 : i32
        %convert_element_type3A_241 = arith.extui %eq3A_240 : i1 to i32
        %cond3A_242 = arith.constant 0 : i32
        %cond3A_243 = arith.cmpi ne, %convert_element_type3A_241, %cond3A_242 : i32
        scf.if %cond3A_243 {
          %dma_wait3A = arith.constant 0 : i32
          %dma_wait3A_249 = arith.constant 0 : i32
          %dma_wait3A_250 = tpu.memref_slice %arg11[%dma_wait3A, %dma_wait3A_249] : memref<16x768xf32, #tpu.memory_space<vmem>> -> memref<8x768xf32, #tpu.memory_space<vmem>>
          %dma_wait3A_251 = arith.constant 992 : i32
          %dma_wait3A_252 = arith.constant 0 : i32
          %dma_wait3A_253 = tpu.memref_slice %arg6[%dma_wait3A_251, %dma_wait3A_252] : memref<77000x768xf32, #tpu.memory_space<hbm>> -> memref<8x768xf32, #tpu.memory_space<hbm>>
          %dma_wait3A_254 = arith.constant 992 : i32
          %dma_wait3A_255 = arith.constant 0 : i32
          %dma_wait3A_256 = tpu.memref_slice %arg6[%dma_wait3A_254, %dma_wait3A_255] : memref<77000x768xf32, #tpu.memory_space<hbm>> -> memref<8x768xf32, #tpu.memory_space<hbm>>
          %dma_wait3A_257 = arith.constant 0 : i32
          %dma_wait3A_258 = arith.constant 0 : i32
          %dma_wait3A_259 = tpu.memref_slice %arg11[%dma_wait3A_257, %dma_wait3A_258] : memref<16x768xf32, #tpu.memory_space<vmem>> -> memref<8x768xf32, #tpu.memory_space<vmem>>
          tpu.wait_dma2 semaphore(%arg21 : memref<!tpu.dma_semaphore, #tpu.memory_space<semaphore_mem>>) src(%dma_wait3A_259 : memref<8x768xf32, #tpu.memory_space<vmem>>) dst(%dma_wait3A_256 : memref<8x768xf32, #tpu.memory_space<hbm>>)
        } else {
        }
        %ne3A_244 = arith.constant 62 : i32
        %ne3A_245 = arith.cmpi ne, %sub3A_227, %ne3A_244 : i32
        %convert_element_type3A_246 = arith.extui %ne3A_245 : i1 to i32
        %cond3A_247 = arith.constant 0 : i32
        %cond3A_248 = arith.cmpi ne, %convert_element_type3A_246, %cond3A_247 : i32
        scf.if %cond3A_248 {
          %dma_wait3A = arith.constant 0 : i32
          %dma_wait3A_249 = tpu.memref_slice %arg6[%multiple_of3A, %dma_wait3A] : memref<77000x768xf32, #tpu.memory_space<hbm>> -> memref<16x768xf32, #tpu.memory_space<hbm>>
          %dma_wait3A_250 = arith.constant 0 : i32
          %dma_wait3A_251 = tpu.memref_slice %arg6[%multiple_of3A, %dma_wait3A_250] : memref<77000x768xf32, #tpu.memory_space<hbm>> -> memref<16x768xf32, #tpu.memory_space<hbm>>
          tpu.wait_dma2 semaphore(%arg21 : memref<!tpu.dma_semaphore, #tpu.memory_space<semaphore_mem>>) src(%arg11 : memref<16x768xf32, #tpu.memory_space<vmem>>) dst(%dma_wait3A_251 : memref<16x768xf32, #tpu.memory_space<hbm>>)
        } else {
        }
      } else {
      }
      %ge3A_90 = arith.constant 3 : i32
      %ge3A_91 = arith.cmpi sge, %add3A_76, %ge3A_90 : i32
      %sub3A_92 = arith.constant 3 : i32
      %sub3A_93 = arith.subi %add3A_76, %sub3A_92 : i32
      %lt3A_94 = arith.cmpi slt, %sub3A_93, %min3A : i32
      %add3A_95 = arith.addi %select_n3A, %sub3A_93 : i32
      %ne3A_96 = arith.constant 63 : i32
      %ne3A_97 = arith.cmpi ne, %add3A_95, %ne3A_96 : i32
      %and3A_98 = arith.andi %lt3A_94, %ne3A_97 : i1
      %and3A_99 = arith.andi %ge3A_91, %and3A_98 : i1
      %convert_element_type3A_100 = arith.extui %and3A_99 : i1 to i32
      %cond3A_101 = arith.constant 0 : i32
      %cond3A_102 = arith.cmpi ne, %convert_element_type3A_100, %cond3A_101 : i32
      scf.if %cond3A_102 {
        %dma_wait3A = arith.constant 0 : i32
        %dma_wait3A_225 = arith.constant 0 : i32
        %dma_wait3A_226 = tpu.memref_slice %arg4[%dma_wait3A, %dma_wait3A_225] : memref<49408x768xf32, #tpu.memory_space<hbm>> -> memref<16x768xf32, #tpu.memory_space<hbm>>
        %dma_wait3A_227 = arith.constant 0 : i32
        %dma_wait3A_228 = arith.constant 0 : i32
        %dma_wait3A_229 = tpu.memref_slice %arg4[%dma_wait3A_227, %dma_wait3A_228] : memref<49408x768xf32, #tpu.memory_space<hbm>> -> memref<16x768xf32, #tpu.memory_space<hbm>>
        tpu.wait_dma2 semaphore(%arg18 : memref<!tpu.dma_semaphore, #tpu.memory_space<semaphore_mem>>) src(%dma_wait3A_229 : memref<16x768xf32, #tpu.memory_space<hbm>>) dst(%arg13 : memref<16x768xf32, #tpu.memory_space<vmem>>)
        %add3A_230 = arith.addi %select_n3A, %add3A_76 : i32
        %sub3A_231 = arith.constant 3 : i32
        %sub3A_232 = arith.subi %add3A_230, %sub3A_231 : i32
        %lt3A_233 = arith.constant 62 : i32
        %lt3A_234 = arith.cmpi slt, %sub3A_232, %lt3A_233 : i32
        %mul3A_235 = arith.constant 16 : i32
        %mul3A_236 = arith.muli %mul3A_235, %sub3A_232 : i32
        %mul3A_237 = arith.constant 16 : i32
        %mul3A_238 = arith.muli %mul3A_237, %sub3A_232 : i32
        %add3A_239 = arith.constant 17000 : i32
        %add3A_240 = arith.addi %mul3A_238, %add3A_239 : i32
        %sub3A_241 = arith.constant 1024 : i32
        %sub3A_242 = arith.subi %add3A_240, %sub3A_241 : i32
        %select_n3A_243 = arith.select %lt3A_234, %mul3A_236, %sub3A_242 : i32
        %multiple_of3A = tpu.assume_multiple %select_n3A_243, 8 : i32
        %eq3A_244 = arith.constant 62 : i32
        %eq3A_245 = arith.cmpi eq, %sub3A_232, %eq3A_244 : i32
        %convert_element_type3A_246 = arith.extui %eq3A_245 : i1 to i32
        %cond3A_247 = arith.constant 0 : i32
        %cond3A_248 = arith.cmpi ne, %convert_element_type3A_246, %cond3A_247 : i32
        scf.if %cond3A_248 {
          %dma_start3A = arith.constant 0 : i32
          %dma_start3A_254 = arith.constant 0 : i32
          %dma_start3A_255 = tpu.memref_slice %arg13[%dma_start3A, %dma_start3A_254] : memref<16x768xf32, #tpu.memory_space<vmem>> -> memref<8x768xf32, #tpu.memory_space<vmem>>
          %dma_start3A_256 = arith.constant 992 : i32
          %dma_start3A_257 = arith.constant 0 : i32
          %dma_start3A_258 = tpu.memref_slice %arg6[%dma_start3A_256, %dma_start3A_257] : memref<77000x768xf32, #tpu.memory_space<hbm>> -> memref<8x768xf32, #tpu.memory_space<hbm>>
          %dma_start3A_259 = arith.constant 992 : i32
          %dma_start3A_260 = arith.constant 0 : i32
          %dma_start3A_261 = tpu.memref_slice %arg6[%dma_start3A_259, %dma_start3A_260] : memref<77000x768xf32, #tpu.memory_space<hbm>> -> memref<8x768xf32, #tpu.memory_space<hbm>>
          %dma_start3A_262 = arith.constant 0 : i32
          %dma_start3A_263 = arith.constant 0 : i32
          %dma_start3A_264 = tpu.memref_slice %arg13[%dma_start3A_262, %dma_start3A_263] : memref<16x768xf32, #tpu.memory_space<vmem>> -> memref<8x768xf32, #tpu.memory_space<vmem>>
          tpu.enqueue_dma source(%dma_start3A_264 : memref<8x768xf32, #tpu.memory_space<vmem>>) target(%dma_start3A_261 : memref<8x768xf32, #tpu.memory_space<hbm>>) target_semaphore(%arg23 : memref<!tpu.dma_semaphore, #tpu.memory_space<semaphore_mem>>)
        } else {
        }
        %ne3A_249 = arith.constant 62 : i32
        %ne3A_250 = arith.cmpi ne, %sub3A_232, %ne3A_249 : i32
        %convert_element_type3A_251 = arith.extui %ne3A_250 : i1 to i32
        %cond3A_252 = arith.constant 0 : i32
        %cond3A_253 = arith.cmpi ne, %convert_element_type3A_251, %cond3A_252 : i32
        scf.if %cond3A_253 {
          %dma_start3A = arith.constant 0 : i32
          %dma_start3A_254 = tpu.memref_slice %arg6[%multiple_of3A, %dma_start3A] : memref<77000x768xf32, #tpu.memory_space<hbm>> -> memref<16x768xf32, #tpu.memory_space<hbm>>
          %dma_start3A_255 = arith.constant 0 : i32
          %dma_start3A_256 = tpu.memref_slice %arg6[%multiple_of3A, %dma_start3A_255] : memref<77000x768xf32, #tpu.memory_space<hbm>> -> memref<16x768xf32, #tpu.memory_space<hbm>>
          tpu.enqueue_dma source(%arg13 : memref<16x768xf32, #tpu.memory_space<vmem>>) target(%dma_start3A_256 : memref<16x768xf32, #tpu.memory_space<hbm>>) target_semaphore(%arg23 : memref<!tpu.dma_semaphore, #tpu.memory_space<semaphore_mem>>)
        } else {
        }
      } else {
      }
      %lt3A_103 = arith.cmpi slt, %add3A_76, %min3A : i32
      %add3A_104 = arith.addi %select_n3A, %add3A_76 : i32
      %ne3A_105 = arith.constant 63 : i32
      %ne3A_106 = arith.cmpi ne, %add3A_104, %ne3A_105 : i32
      %and3A_107 = arith.andi %lt3A_103, %ne3A_106 : i1
      %convert_element_type3A_108 = arith.extui %and3A_107 : i1 to i32
      %cond3A_109 = arith.constant 0 : i32
      %cond3A_110 = arith.cmpi ne, %convert_element_type3A_108, %cond3A_109 : i32
      scf.if %cond3A_110 {
        %add3A_225 = arith.addi %select_n3A, %add3A_76 : i32
        %lt3A_226 = arith.constant 64 : i32
        %lt3A_227 = arith.cmpi slt, %add3A_225, %lt3A_226 : i32
        %convert_element_type3A_228 = arith.extui %lt3A_227 : i1 to i32
        %cond3A_229 = arith.constant 0 : i32
        %cond3A_230 = arith.cmpi ne, %convert_element_type3A_228, %cond3A_229 : i32
        scf.if %cond3A_230 {
          %get3A = arith.index_cast %add3A_76 : i32 to index
          %get3A_236 = arith.constant 0 : index
          %get3A_237 = tpu.vector_load %arg7[%get3A, %get3A_236] {strides = array<i32>} : memref<64x16xi32, #tpu.memory_space<vmem>>, vector<1x16xi32>,
          %get3A_238 = vector.shape_cast %get3A_237 : vector<1x16xi32> to vector<16xi32>
          %dma_start3A = arith.constant 0 : i32
          %dma_start3A_239 = arith.constant 0 : i32
          %dma_start3A_240 = tpu.memref_slice %arg4[%dma_start3A, %dma_start3A_239] : memref<49408x768xf32, #tpu.memory_space<hbm>> -> memref<49408x768xf32, #tpu.memory_space<hbm>>
          tpu.enqueue_indirect_dma source(%dma_start3A_240 : memref<49408x768xf32, #tpu.memory_space<hbm>>) target(%arg11 : memref<16x768xf32, #tpu.memory_space<vmem>>) offsets(%get3A_238 : vector<16xi32>) semaphore(%arg16 : memref<!tpu.dma_semaphore, #tpu.memory_space<semaphore_mem>>)
        } else {
        }
        %ge3A_231 = arith.constant 64 : i32
        %ge3A_232 = arith.cmpi sge, %add3A_225, %ge3A_231 : i32
        %convert_element_type3A_233 = arith.extui %ge3A_232 : i1 to i32
        %cond3A_234 = arith.constant 0 : i32
        %cond3A_235 = arith.cmpi ne, %convert_element_type3A_233, %cond3A_234 : i32
        scf.if %cond3A_235 {
          %eq3A_236 = arith.constant 0 : i32
          %eq3A_237 = arith.cmpi eq, %add3A, %eq3A_236 : i32
          %sub3A_238 = arith.constant 64 : i32
          %sub3A_239 = arith.subi %add3A_76, %sub3A_238 : i32
          %select_n3A_240 = arith.select %eq3A_237, %sub3A_239, %add3A_76 : i32
          %get3A = arith.index_cast %select_n3A_240 : i32 to index
          %get3A_241 = arith.constant 0 : index
          %get3A_242 = tpu.vector_load %arg8[%get3A, %get3A_241] {strides = array<i32>} : memref<152x16xi32, #tpu.memory_space<vmem>>, vector<1x16xi32>,
          %get3A_243 = vector.shape_cast %get3A_242 : vector<1x16xi32> to vector<16xi32>
          %dma_start3A = arith.constant 0 : i32
          %dma_start3A_244 = arith.constant 0 : i32
          %dma_start3A_245 = tpu.memref_slice %arg4[%dma_start3A, %dma_start3A_244] : memref<49408x768xf32, #tpu.memory_space<hbm>> -> memref<49408x768xf32, #tpu.memory_space<hbm>>
          tpu.enqueue_indirect_dma source(%dma_start3A_245 : memref<49408x768xf32, #tpu.memory_space<hbm>>) target(%arg11 : memref<16x768xf32, #tpu.memory_space<vmem>>) offsets(%get3A_243 : vector<16xi32>) semaphore(%arg16 : memref<!tpu.dma_semaphore, #tpu.memory_space<semaphore_mem>>)
        } else {
        }
      } else {
      }
      %mul3A_111 = arith.constant 5 : i32
      %mul3A_112 = arith.muli %mul3A_111, %scan3A_37 : i32
      %add3A_113 = arith.constant 2 : i32
      %add3A_114 = arith.addi %mul3A_112, %add3A_113 : i32
      %ge3A_115 = arith.constant 5 : i32
      %ge3A_116 = arith.cmpi sge, %add3A_114, %ge3A_115 : i32
      %sub3A_117 = arith.constant 5 : i32
      %sub3A_118 = arith.subi %add3A_114, %sub3A_117 : i32
      %lt3A_119 = arith.cmpi slt, %sub3A_118, %min3A : i32
      %add3A_120 = arith.addi %select_n3A, %sub3A_118 : i32
      %ne3A_121 = arith.constant 63 : i32
      %ne3A_122 = arith.cmpi ne, %add3A_120, %ne3A_121 : i32
      %and3A_123 = arith.andi %lt3A_119, %ne3A_122 : i1
      %and3A_124 = arith.andi %ge3A_116, %and3A_123 : i1
      %convert_element_type3A_125 = arith.extui %and3A_124 : i1 to i32
      %cond3A_126 = arith.constant 0 : i32
      %cond3A_127 = arith.cmpi ne, %convert_element_type3A_125, %cond3A_126 : i32
      scf.if %cond3A_127 {
        %add3A_225 = arith.addi %select_n3A, %add3A_114 : i32
        %sub3A_226 = arith.constant 5 : i32
        %sub3A_227 = arith.subi %add3A_225, %sub3A_226 : i32
        %lt3A_228 = arith.constant 62 : i32
        %lt3A_229 = arith.cmpi slt, %sub3A_227, %lt3A_228 : i32
        %mul3A_230 = arith.constant 16 : i32
        %mul3A_231 = arith.muli %mul3A_230, %sub3A_227 : i32
        %mul3A_232 = arith.constant 16 : i32
        %mul3A_233 = arith.muli %mul3A_232, %sub3A_227 : i32
        %add3A_234 = arith.constant 17000 : i32
        %add3A_235 = arith.addi %mul3A_233, %add3A_234 : i32
        %sub3A_236 = arith.constant 1024 : i32
        %sub3A_237 = arith.subi %add3A_235, %sub3A_236 : i32
        %select_n3A_238 = arith.select %lt3A_229, %mul3A_231, %sub3A_237 : i32
        %multiple_of3A = tpu.assume_multiple %select_n3A_238, 8 : i32
        %eq3A_239 = arith.constant 62 : i32
        %eq3A_240 = arith.cmpi eq, %sub3A_227, %eq3A_239 : i32
        %convert_element_type3A_241 = arith.extui %eq3A_240 : i1 to i32
        %cond3A_242 = arith.constant 0 : i32
        %cond3A_243 = arith.cmpi ne, %convert_element_type3A_241, %cond3A_242 : i32
        scf.if %cond3A_243 {
          %dma_wait3A = arith.constant 0 : i32
          %dma_wait3A_249 = arith.constant 0 : i32
          %dma_wait3A_250 = tpu.memref_slice %arg12[%dma_wait3A, %dma_wait3A_249] : memref<16x768xf32, #tpu.memory_space<vmem>> -> memref<8x768xf32, #tpu.memory_space<vmem>>
          %dma_wait3A_251 = arith.constant 992 : i32
          %dma_wait3A_252 = arith.constant 0 : i32
          %dma_wait3A_253 = tpu.memref_slice %arg6[%dma_wait3A_251, %dma_wait3A_252] : memref<77000x768xf32, #tpu.memory_space<hbm>> -> memref<8x768xf32, #tpu.memory_space<hbm>>
          %dma_wait3A_254 = arith.constant 992 : i32
          %dma_wait3A_255 = arith.constant 0 : i32
          %dma_wait3A_256 = tpu.memref_slice %arg6[%dma_wait3A_254, %dma_wait3A_255] : memref<77000x768xf32, #tpu.memory_space<hbm>> -> memref<8x768xf32, #tpu.memory_space<hbm>>
          %dma_wait3A_257 = arith.constant 0 : i32
          %dma_wait3A_258 = arith.constant 0 : i32
          %dma_wait3A_259 = tpu.memref_slice %arg12[%dma_wait3A_257, %dma_wait3A_258] : memref<16x768xf32, #tpu.memory_space<vmem>> -> memref<8x768xf32, #tpu.memory_space<vmem>>
          tpu.wait_dma2 semaphore(%arg22 : memref<!tpu.dma_semaphore, #tpu.memory_space<semaphore_mem>>) src(%dma_wait3A_259 : memref<8x768xf32, #tpu.memory_space<vmem>>) dst(%dma_wait3A_256 : memref<8x768xf32, #tpu.memory_space<hbm>>)
        } else {
        }
        %ne3A_244 = arith.constant 62 : i32
        %ne3A_245 = arith.cmpi ne, %sub3A_227, %ne3A_244 : i32
        %convert_element_type3A_246 = arith.extui %ne3A_245 : i1 to i32
        %cond3A_247 = arith.constant 0 : i32
        %cond3A_248 = arith.cmpi ne, %convert_element_type3A_246, %cond3A_247 : i32
        scf.if %cond3A_248 {
          %dma_wait3A = arith.constant 0 : i32
          %dma_wait3A_249 = tpu.memref_slice %arg6[%multiple_of3A, %dma_wait3A] : memref<77000x768xf32, #tpu.memory_space<hbm>> -> memref<16x768xf32, #tpu.memory_space<hbm>>
          %dma_wait3A_250 = arith.constant 0 : i32
          %dma_wait3A_251 = tpu.memref_slice %arg6[%multiple_of3A, %dma_wait3A_250] : memref<77000x768xf32, #tpu.memory_space<hbm>> -> memref<16x768xf32, #tpu.memory_space<hbm>>
          tpu.wait_dma2 semaphore(%arg22 : memref<!tpu.dma_semaphore, #tpu.memory_space<semaphore_mem>>) src(%arg12 : memref<16x768xf32, #tpu.memory_space<vmem>>) dst(%dma_wait3A_251 : memref<16x768xf32, #tpu.memory_space<hbm>>)
        } else {
        }
      } else {
      }
      %ge3A_128 = arith.constant 3 : i32
      %ge3A_129 = arith.cmpi sge, %add3A_114, %ge3A_128 : i32
      %sub3A_130 = arith.constant 3 : i32
      %sub3A_131 = arith.subi %add3A_114, %sub3A_130 : i32
      %lt3A_132 = arith.cmpi slt, %sub3A_131, %min3A : i32
      %add3A_133 = arith.addi %select_n3A, %sub3A_131 : i32
      %ne3A_134 = arith.constant 63 : i32
      %ne3A_135 = arith.cmpi ne, %add3A_133, %ne3A_134 : i32
      %and3A_136 = arith.andi %lt3A_132, %ne3A_135 : i1
      %and3A_137 = arith.andi %ge3A_129, %and3A_136 : i1
      %convert_element_type3A_138 = arith.extui %and3A_137 : i1 to i32
      %cond3A_139 = arith.constant 0 : i32
      %cond3A_140 = arith.cmpi ne, %convert_element_type3A_138, %cond3A_139 : i32
      scf.if %cond3A_140 {
        %dma_wait3A = arith.constant 0 : i32
        %dma_wait3A_225 = arith.constant 0 : i32
        %dma_wait3A_226 = tpu.memref_slice %arg4[%dma_wait3A, %dma_wait3A_225] : memref<49408x768xf32, #tpu.memory_space<hbm>> -> memref<16x768xf32, #tpu.memory_space<hbm>>
        %dma_wait3A_227 = arith.constant 0 : i32
        %dma_wait3A_228 = arith.constant 0 : i32
        %dma_wait3A_229 = tpu.memref_slice %arg4[%dma_wait3A_227, %dma_wait3A_228] : memref<49408x768xf32, #tpu.memory_space<hbm>> -> memref<16x768xf32, #tpu.memory_space<hbm>>
        tpu.wait_dma2 semaphore(%arg19 : memref<!tpu.dma_semaphore, #tpu.memory_space<semaphore_mem>>) src(%dma_wait3A_229 : memref<16x768xf32, #tpu.memory_space<hbm>>) dst(%arg14 : memref<16x768xf32, #tpu.memory_space<vmem>>)
        %add3A_230 = arith.addi %select_n3A, %add3A_114 : i32
        %sub3A_231 = arith.constant 3 : i32
        %sub3A_232 = arith.subi %add3A_230, %sub3A_231 : i32
        %lt3A_233 = arith.constant 62 : i32
        %lt3A_234 = arith.cmpi slt, %sub3A_232, %lt3A_233 : i32
        %mul3A_235 = arith.constant 16 : i32
        %mul3A_236 = arith.muli %mul3A_235, %sub3A_232 : i32
        %mul3A_237 = arith.constant 16 : i32
        %mul3A_238 = arith.muli %mul3A_237, %sub3A_232 : i32
        %add3A_239 = arith.constant 17000 : i32
        %add3A_240 = arith.addi %mul3A_238, %add3A_239 : i32
        %sub3A_241 = arith.constant 1024 : i32
        %sub3A_242 = arith.subi %add3A_240, %sub3A_241 : i32
        %select_n3A_243 = arith.select %lt3A_234, %mul3A_236, %sub3A_242 : i32
        %multiple_of3A = tpu.assume_multiple %select_n3A_243, 8 : i32
        %eq3A_244 = arith.constant 62 : i32
        %eq3A_245 = arith.cmpi eq, %sub3A_232, %eq3A_244 : i32
        %convert_element_type3A_246 = arith.extui %eq3A_245 : i1 to i32
        %cond3A_247 = arith.constant 0 : i32
        %cond3A_248 = arith.cmpi ne, %convert_element_type3A_246, %cond3A_247 : i32
        scf.if %cond3A_248 {
          %dma_start3A = arith.constant 0 : i32
          %dma_start3A_254 = arith.constant 0 : i32
          %dma_start3A_255 = tpu.memref_slice %arg14[%dma_start3A, %dma_start3A_254] : memref<16x768xf32, #tpu.memory_space<vmem>> -> memref<8x768xf32, #tpu.memory_space<vmem>>
          %dma_start3A_256 = arith.constant 992 : i32
          %dma_start3A_257 = arith.constant 0 : i32
          %dma_start3A_258 = tpu.memref_slice %arg6[%dma_start3A_256, %dma_start3A_257] : memref<77000x768xf32, #tpu.memory_space<hbm>> -> memref<8x768xf32, #tpu.memory_space<hbm>>
          %dma_start3A_259 = arith.constant 992 : i32
          %dma_start3A_260 = arith.constant 0 : i32
          %dma_start3A_261 = tpu.memref_slice %arg6[%dma_start3A_259, %dma_start3A_260] : memref<77000x768xf32, #tpu.memory_space<hbm>> -> memref<8x768xf32, #tpu.memory_space<hbm>>
          %dma_start3A_262 = arith.constant 0 : i32
          %dma_start3A_263 = arith.constant 0 : i32
          %dma_start3A_264 = tpu.memref_slice %arg14[%dma_start3A_262, %dma_start3A_263] : memref<16x768xf32, #tpu.memory_space<vmem>> -> memref<8x768xf32, #tpu.memory_space<vmem>>
          tpu.enqueue_dma source(%dma_start3A_264 : memref<8x768xf32, #tpu.memory_space<vmem>>) target(%dma_start3A_261 : memref<8x768xf32, #tpu.memory_space<hbm>>) target_semaphore(%arg24 : memref<!tpu.dma_semaphore, #tpu.memory_space<semaphore_mem>>)
        } else {
        }
        %ne3A_249 = arith.constant 62 : i32
        %ne3A_250 = arith.cmpi ne, %sub3A_232, %ne3A_249 : i32
        %convert_element_type3A_251 = arith.extui %ne3A_250 : i1 to i32
        %cond3A_252 = arith.constant 0 : i32
        %cond3A_253 = arith.cmpi ne, %convert_element_type3A_251, %cond3A_252 : i32
        scf.if %cond3A_253 {
          %dma_start3A = arith.constant 0 : i32
          %dma_start3A_254 = tpu.memref_slice %arg6[%multiple_of3A, %dma_start3A] : memref<77000x768xf32, #tpu.memory_space<hbm>> -> memref<16x768xf32, #tpu.memory_space<hbm>>
          %dma_start3A_255 = arith.constant 0 : i32
          %dma_start3A_256 = tpu.memref_slice %arg6[%multiple_of3A, %dma_start3A_255] : memref<77000x768xf32, #tpu.memory_space<hbm>> -> memref<16x768xf32, #tpu.memory_space<hbm>>
          tpu.enqueue_dma source(%arg14 : memref<16x768xf32, #tpu.memory_space<vmem>>) target(%dma_start3A_256 : memref<16x768xf32, #tpu.memory_space<hbm>>) target_semaphore(%arg24 : memref<!tpu.dma_semaphore, #tpu.memory_space<semaphore_mem>>)
        } else {
        }
      } else {
      }
      %lt3A_141 = arith.cmpi slt, %add3A_114, %min3A : i32
      %add3A_142 = arith.addi %select_n3A, %add3A_114 : i32
      %ne3A_143 = arith.constant 63 : i32
      %ne3A_144 = arith.cmpi ne, %add3A_142, %ne3A_143 : i32
      %and3A_145 = arith.andi %lt3A_141, %ne3A_144 : i1
      %convert_element_type3A_146 = arith.extui %and3A_145 : i1 to i32
      %cond3A_147 = arith.constant 0 : i32
      %cond3A_148 = arith.cmpi ne, %convert_element_type3A_146, %cond3A_147 : i32
      scf.if %cond3A_148 {
        %add3A_225 = arith.addi %select_n3A, %add3A_114 : i32
        %lt3A_226 = arith.constant 64 : i32
        %lt3A_227 = arith.cmpi slt, %add3A_225, %lt3A_226 : i32
        %convert_element_type3A_228 = arith.extui %lt3A_227 : i1 to i32
        %cond3A_229 = arith.constant 0 : i32
        %cond3A_230 = arith.cmpi ne, %convert_element_type3A_228, %cond3A_229 : i32
        scf.if %cond3A_230 {
          %get3A = arith.index_cast %add3A_114 : i32 to index
          %get3A_236 = arith.constant 0 : index
          %get3A_237 = tpu.vector_load %arg7[%get3A, %get3A_236] {strides = array<i32>} : memref<64x16xi32, #tpu.memory_space<vmem>>, vector<1x16xi32>,
          %get3A_238 = vector.shape_cast %get3A_237 : vector<1x16xi32> to vector<16xi32>
          %dma_start3A = arith.constant 0 : i32
          %dma_start3A_239 = arith.constant 0 : i32
          %dma_start3A_240 = tpu.memref_slice %arg4[%dma_start3A, %dma_start3A_239] : memref<49408x768xf32, #tpu.memory_space<hbm>> -> memref<49408x768xf32, #tpu.memory_space<hbm>>
          tpu.enqueue_indirect_dma source(%dma_start3A_240 : memref<49408x768xf32, #tpu.memory_space<hbm>>) target(%arg12 : memref<16x768xf32, #tpu.memory_space<vmem>>) offsets(%get3A_238 : vector<16xi32>) semaphore(%arg17 : memref<!tpu.dma_semaphore, #tpu.memory_space<semaphore_mem>>)
        } else {
        }
        %ge3A_231 = arith.constant 64 : i32
        %ge3A_232 = arith.cmpi sge, %add3A_225, %ge3A_231 : i32
        %convert_element_type3A_233 = arith.extui %ge3A_232 : i1 to i32
        %cond3A_234 = arith.constant 0 : i32
        %cond3A_235 = arith.cmpi ne, %convert_element_type3A_233, %cond3A_234 : i32
        scf.if %cond3A_235 {
          %eq3A_236 = arith.constant 0 : i32
          %eq3A_237 = arith.cmpi eq, %add3A, %eq3A_236 : i32
          %sub3A_238 = arith.constant 64 : i32
          %sub3A_239 = arith.subi %add3A_114, %sub3A_238 : i32
          %select_n3A_240 = arith.select %eq3A_237, %sub3A_239, %add3A_114 : i32
          %get3A = arith.index_cast %select_n3A_240 : i32 to index
          %get3A_241 = arith.constant 0 : index
          %get3A_242 = tpu.vector_load %arg8[%get3A, %get3A_241] {strides = array<i32>} : memref<152x16xi32, #tpu.memory_space<vmem>>, vector<1x16xi32>,
          %get3A_243 = vector.shape_cast %get3A_242 : vector<1x16xi32> to vector<16xi32>
          %dma_start3A = arith.constant 0 : i32
          %dma_start3A_244 = arith.constant 0 : i32
          %dma_start3A_245 = tpu.memref_slice %arg4[%dma_start3A, %dma_start3A_244] : memref<49408x768xf32, #tpu.memory_space<hbm>> -> memref<49408x768xf32, #tpu.memory_space<hbm>>
          tpu.enqueue_indirect_dma source(%dma_start3A_245 : memref<49408x768xf32, #tpu.memory_space<hbm>>) target(%arg12 : memref<16x768xf32, #tpu.memory_space<vmem>>) offsets(%get3A_243 : vector<16xi32>) semaphore(%arg17 : memref<!tpu.dma_semaphore, #tpu.memory_space<semaphore_mem>>)
        } else {
        }
      } else {
      }
      %mul3A_149 = arith.constant 5 : i32
      %mul3A_150 = arith.muli %mul3A_149, %scan3A_37 : i32
      %add3A_151 = arith.constant 3 : i32
      %add3A_152 = arith.addi %mul3A_150, %add3A_151 : i32
      %ge3A_153 = arith.constant 5 : i32
      %ge3A_154 = arith.cmpi sge, %add3A_152, %ge3A_153 : i32
      %sub3A_155 = arith.constant 5 : i32
      %sub3A_156 = arith.subi %add3A_152, %sub3A_155 : i32
      %lt3A_157 = arith.cmpi slt, %sub3A_156, %min3A : i32
      %add3A_158 = arith.addi %select_n3A, %sub3A_156 : i32
      %ne3A_159 = arith.constant 63 : i32
      %ne3A_160 = arith.cmpi ne, %add3A_158, %ne3A_159 : i32
      %and3A_161 = arith.andi %lt3A_157, %ne3A_160 : i1
      %and3A_162 = arith.andi %ge3A_154, %and3A_161 : i1
      %convert_element_type3A_163 = arith.extui %and3A_162 : i1 to i32
      %cond3A_164 = arith.constant 0 : i32
      %cond3A_165 = arith.cmpi ne, %convert_element_type3A_163, %cond3A_164 : i32
      scf.if %cond3A_165 {
        %add3A_225 = arith.addi %select_n3A, %add3A_152 : i32
        %sub3A_226 = arith.constant 5 : i32
        %sub3A_227 = arith.subi %add3A_225, %sub3A_226 : i32
        %lt3A_228 = arith.constant 62 : i32
        %lt3A_229 = arith.cmpi slt, %sub3A_227, %lt3A_228 : i32
        %mul3A_230 = arith.constant 16 : i32
        %mul3A_231 = arith.muli %mul3A_230, %sub3A_227 : i32
        %mul3A_232 = arith.constant 16 : i32
        %mul3A_233 = arith.muli %mul3A_232, %sub3A_227 : i32
        %add3A_234 = arith.constant 17000 : i32
        %add3A_235 = arith.addi %mul3A_233, %add3A_234 : i32
        %sub3A_236 = arith.constant 1024 : i32
        %sub3A_237 = arith.subi %add3A_235, %sub3A_236 : i32
        %select_n3A_238 = arith.select %lt3A_229, %mul3A_231, %sub3A_237 : i32
        %multiple_of3A = tpu.assume_multiple %select_n3A_238, 8 : i32
        %eq3A_239 = arith.constant 62 : i32
        %eq3A_240 = arith.cmpi eq, %sub3A_227, %eq3A_239 : i32
        %convert_element_type3A_241 = arith.extui %eq3A_240 : i1 to i32
        %cond3A_242 = arith.constant 0 : i32
        %cond3A_243 = arith.cmpi ne, %convert_element_type3A_241, %cond3A_242 : i32
        scf.if %cond3A_243 {
          %dma_wait3A = arith.constant 0 : i32
          %dma_wait3A_249 = arith.constant 0 : i32
          %dma_wait3A_250 = tpu.memref_slice %arg13[%dma_wait3A, %dma_wait3A_249] : memref<16x768xf32, #tpu.memory_space<vmem>> -> memref<8x768xf32, #tpu.memory_space<vmem>>
          %dma_wait3A_251 = arith.constant 992 : i32
          %dma_wait3A_252 = arith.constant 0 : i32
          %dma_wait3A_253 = tpu.memref_slice %arg6[%dma_wait3A_251, %dma_wait3A_252] : memref<77000x768xf32, #tpu.memory_space<hbm>> -> memref<8x768xf32, #tpu.memory_space<hbm>>
          %dma_wait3A_254 = arith.constant 992 : i32
          %dma_wait3A_255 = arith.constant 0 : i32
          %dma_wait3A_256 = tpu.memref_slice %arg6[%dma_wait3A_254, %dma_wait3A_255] : memref<77000x768xf32, #tpu.memory_space<hbm>> -> memref<8x768xf32, #tpu.memory_space<hbm>>
          %dma_wait3A_257 = arith.constant 0 : i32
          %dma_wait3A_258 = arith.constant 0 : i32
          %dma_wait3A_259 = tpu.memref_slice %arg13[%dma_wait3A_257, %dma_wait3A_258] : memref<16x768xf32, #tpu.memory_space<vmem>> -> memref<8x768xf32, #tpu.memory_space<vmem>>
          tpu.wait_dma2 semaphore(%arg23 : memref<!tpu.dma_semaphore, #tpu.memory_space<semaphore_mem>>) src(%dma_wait3A_259 : memref<8x768xf32, #tpu.memory_space<vmem>>) dst(%dma_wait3A_256 : memref<8x768xf32, #tpu.memory_space<hbm>>)
        } else {
        }
        %ne3A_244 = arith.constant 62 : i32
        %ne3A_245 = arith.cmpi ne, %sub3A_227, %ne3A_244 : i32
        %convert_element_type3A_246 = arith.extui %ne3A_245 : i1 to i32
        %cond3A_247 = arith.constant 0 : i32
        %cond3A_248 = arith.cmpi ne, %convert_element_type3A_246, %cond3A_247 : i32
        scf.if %cond3A_248 {
          %dma_wait3A = arith.constant 0 : i32
          %dma_wait3A_249 = tpu.memref_slice %arg6[%multiple_of3A, %dma_wait3A] : memref<77000x768xf32, #tpu.memory_space<hbm>> -> memref<16x768xf32, #tpu.memory_space<hbm>>
          %dma_wait3A_250 = arith.constant 0 : i32
          %dma_wait3A_251 = tpu.memref_slice %arg6[%multiple_of3A, %dma_wait3A_250] : memref<77000x768xf32, #tpu.memory_space<hbm>> -> memref<16x768xf32, #tpu.memory_space<hbm>>
          tpu.wait_dma2 semaphore(%arg23 : memref<!tpu.dma_semaphore, #tpu.memory_space<semaphore_mem>>) src(%arg13 : memref<16x768xf32, #tpu.memory_space<vmem>>) dst(%dma_wait3A_251 : memref<16x768xf32, #tpu.memory_space<hbm>>)
        } else {
        }
      } else {
      }
      %ge3A_166 = arith.constant 3 : i32
      %ge3A_167 = arith.cmpi sge, %add3A_152, %ge3A_166 : i32
      %sub3A_168 = arith.constant 3 : i32
      %sub3A_169 = arith.subi %add3A_152, %sub3A_168 : i32
      %lt3A_170 = arith.cmpi slt, %sub3A_169, %min3A : i32
      %add3A_171 = arith.addi %select_n3A, %sub3A_169 : i32
      %ne3A_172 = arith.constant 63 : i32
      %ne3A_173 = arith.cmpi ne, %add3A_171, %ne3A_172 : i32
      %and3A_174 = arith.andi %lt3A_170, %ne3A_173 : i1
      %and3A_175 = arith.andi %ge3A_167, %and3A_174 : i1
      %convert_element_type3A_176 = arith.extui %and3A_175 : i1 to i32
      %cond3A_177 = arith.constant 0 : i32
      %cond3A_178 = arith.cmpi ne, %convert_element_type3A_176, %cond3A_177 : i32
      scf.if %cond3A_178 {
        %dma_wait3A = arith.constant 0 : i32
        %dma_wait3A_225 = arith.constant 0 : i32
        %dma_wait3A_226 = tpu.memref_slice %arg4[%dma_wait3A, %dma_wait3A_225] : memref<49408x768xf32, #tpu.memory_space<hbm>> -> memref<16x768xf32, #tpu.memory_space<hbm>>
        %dma_wait3A_227 = arith.constant 0 : i32
        %dma_wait3A_228 = arith.constant 0 : i32
        %dma_wait3A_229 = tpu.memref_slice %arg4[%dma_wait3A_227, %dma_wait3A_228] : memref<49408x768xf32, #tpu.memory_space<hbm>> -> memref<16x768xf32, #tpu.memory_space<hbm>>
        tpu.wait_dma2 semaphore(%arg15 : memref<!tpu.dma_semaphore, #tpu.memory_space<semaphore_mem>>) src(%dma_wait3A_229 : memref<16x768xf32, #tpu.memory_space<hbm>>) dst(%arg10 : memref<16x768xf32, #tpu.memory_space<vmem>>)
        %add3A_230 = arith.addi %select_n3A, %add3A_152 : i32
        %sub3A_231 = arith.constant 3 : i32
        %sub3A_232 = arith.subi %add3A_230, %sub3A_231 : i32
        %lt3A_233 = arith.constant 62 : i32
        %lt3A_234 = arith.cmpi slt, %sub3A_232, %lt3A_233 : i32
        %mul3A_235 = arith.constant 16 : i32
        %mul3A_236 = arith.muli %mul3A_235, %sub3A_232 : i32
        %mul3A_237 = arith.constant 16 : i32
        %mul3A_238 = arith.muli %mul3A_237, %sub3A_232 : i32
        %add3A_239 = arith.constant 17000 : i32
        %add3A_240 = arith.addi %mul3A_238, %add3A_239 : i32
        %sub3A_241 = arith.constant 1024 : i32
        %sub3A_242 = arith.subi %add3A_240, %sub3A_241 : i32
        %select_n3A_243 = arith.select %lt3A_234, %mul3A_236, %sub3A_242 : i32
        %multiple_of3A = tpu.assume_multiple %select_n3A_243, 8 : i32
        %eq3A_244 = arith.constant 62 : i32
        %eq3A_245 = arith.cmpi eq, %sub3A_232, %eq3A_244 : i32
        %convert_element_type3A_246 = arith.extui %eq3A_245 : i1 to i32
        %cond3A_247 = arith.constant 0 : i32
        %cond3A_248 = arith.cmpi ne, %convert_element_type3A_246, %cond3A_247 : i32
        scf.if %cond3A_248 {
          %dma_start3A = arith.constant 0 : i32
          %dma_start3A_254 = arith.constant 0 : i32
          %dma_start3A_255 = tpu.memref_slice %arg10[%dma_start3A, %dma_start3A_254] : memref<16x768xf32, #tpu.memory_space<vmem>> -> memref<8x768xf32, #tpu.memory_space<vmem>>
          %dma_start3A_256 = arith.constant 992 : i32
          %dma_start3A_257 = arith.constant 0 : i32
          %dma_start3A_258 = tpu.memref_slice %arg6[%dma_start3A_256, %dma_start3A_257] : memref<77000x768xf32, #tpu.memory_space<hbm>> -> memref<8x768xf32, #tpu.memory_space<hbm>>
          %dma_start3A_259 = arith.constant 992 : i32
          %dma_start3A_260 = arith.constant 0 : i32
          %dma_start3A_261 = tpu.memref_slice %arg6[%dma_start3A_259, %dma_start3A_260] : memref<77000x768xf32, #tpu.memory_space<hbm>> -> memref<8x768xf32, #tpu.memory_space<hbm>>
          %dma_start3A_262 = arith.constant 0 : i32
          %dma_start3A_263 = arith.constant 0 : i32
          %dma_start3A_264 = tpu.memref_slice %arg10[%dma_start3A_262, %dma_start3A_263] : memref<16x768xf32, #tpu.memory_space<vmem>> -> memref<8x768xf32, #tpu.memory_space<vmem>>
          tpu.enqueue_dma source(%dma_start3A_264 : memref<8x768xf32, #tpu.memory_space<vmem>>) target(%dma_start3A_261 : memref<8x768xf32, #tpu.memory_space<hbm>>) target_semaphore(%arg20 : memref<!tpu.dma_semaphore, #tpu.memory_space<semaphore_mem>>)
        } else {
        }
        %ne3A_249 = arith.constant 62 : i32
        %ne3A_250 = arith.cmpi ne, %sub3A_232, %ne3A_249 : i32
        %convert_element_type3A_251 = arith.extui %ne3A_250 : i1 to i32
        %cond3A_252 = arith.constant 0 : i32
        %cond3A_253 = arith.cmpi ne, %convert_element_type3A_251, %cond3A_252 : i32
        scf.if %cond3A_253 {
          %dma_start3A = arith.constant 0 : i32
          %dma_start3A_254 = tpu.memref_slice %arg6[%multiple_of3A, %dma_start3A] : memref<77000x768xf32, #tpu.memory_space<hbm>> -> memref<16x768xf32, #tpu.memory_space<hbm>>
          %dma_start3A_255 = arith.constant 0 : i32
          %dma_start3A_256 = tpu.memref_slice %arg6[%multiple_of3A, %dma_start3A_255] : memref<77000x768xf32, #tpu.memory_space<hbm>> -> memref<16x768xf32, #tpu.memory_space<hbm>>
          tpu.enqueue_dma source(%arg10 : memref<16x768xf32, #tpu.memory_space<vmem>>) target(%dma_start3A_256 : memref<16x768xf32, #tpu.memory_space<hbm>>) target_semaphore(%arg20 : memref<!tpu.dma_semaphore, #tpu.memory_space<semaphore_mem>>)
        } else {
        }
      } else {
      }
      %lt3A_179 = arith.cmpi slt, %add3A_152, %min3A : i32
      %add3A_180 = arith.addi %select_n3A, %add3A_152 : i32
      %ne3A_181 = arith.constant 63 : i32
      %ne3A_182 = arith.cmpi ne, %add3A_180, %ne3A_181 : i32
      %and3A_183 = arith.andi %lt3A_179, %ne3A_182 : i1
      %convert_element_type3A_184 = arith.extui %and3A_183 : i1 to i32
      %cond3A_185 = arith.constant 0 : i32
      %cond3A_186 = arith.cmpi ne, %convert_element_type3A_184, %cond3A_185 : i32
      scf.if %cond3A_186 {
        %add3A_225 = arith.addi %select_n3A, %add3A_152 : i32
        %lt3A_226 = arith.constant 64 : i32
        %lt3A_227 = arith.cmpi slt, %add3A_225, %lt3A_226 : i32
        %convert_element_type3A_228 = arith.extui %lt3A_227 : i1 to i32
        %cond3A_229 = arith.constant 0 : i32
        %cond3A_230 = arith.cmpi ne, %convert_element_type3A_228, %cond3A_229 : i32
        scf.if %cond3A_230 {
          %get3A = arith.index_cast %add3A_152 : i32 to index
          %get3A_236 = arith.constant 0 : index
          %get3A_237 = tpu.vector_load %arg7[%get3A, %get3A_236] {strides = array<i32>} : memref<64x16xi32, #tpu.memory_space<vmem>>, vector<1x16xi32>,
          %get3A_238 = vector.shape_cast %get3A_237 : vector<1x16xi32> to vector<16xi32>
          %dma_start3A = arith.constant 0 : i32
          %dma_start3A_239 = arith.constant 0 : i32
          %dma_start3A_240 = tpu.memref_slice %arg4[%dma_start3A, %dma_start3A_239] : memref<49408x768xf32, #tpu.memory_space<hbm>> -> memref<49408x768xf32, #tpu.memory_space<hbm>>
          tpu.enqueue_indirect_dma source(%dma_start3A_240 : memref<49408x768xf32, #tpu.memory_space<hbm>>) target(%arg13 : memref<16x768xf32, #tpu.memory_space<vmem>>) offsets(%get3A_238 : vector<16xi32>) semaphore(%arg18 : memref<!tpu.dma_semaphore, #tpu.memory_space<semaphore_mem>>)
        } else {
        }
        %ge3A_231 = arith.constant 64 : i32
        %ge3A_232 = arith.cmpi sge, %add3A_225, %ge3A_231 : i32
        %convert_element_type3A_233 = arith.extui %ge3A_232 : i1 to i32
        %cond3A_234 = arith.constant 0 : i32
        %cond3A_235 = arith.cmpi ne, %convert_element_type3A_233, %cond3A_234 : i32
        scf.if %cond3A_235 {
          %eq3A_236 = arith.constant 0 : i32
          %eq3A_237 = arith.cmpi eq, %add3A, %eq3A_236 : i32
          %sub3A_238 = arith.constant 64 : i32
          %sub3A_239 = arith.subi %add3A_152, %sub3A_238 : i32
          %select_n3A_240 = arith.select %eq3A_237, %sub3A_239, %add3A_152 : i32
          %get3A = arith.index_cast %select_n3A_240 : i32 to index
          %get3A_241 = arith.constant 0 : index
          %get3A_242 = tpu.vector_load %arg8[%get3A, %get3A_241] {strides = array<i32>} : memref<152x16xi32, #tpu.memory_space<vmem>>, vector<1x16xi32>,
          %get3A_243 = vector.shape_cast %get3A_242 : vector<1x16xi32> to vector<16xi32>
          %dma_start3A = arith.constant 0 : i32
          %dma_start3A_244 = arith.constant 0 : i32
          %dma_start3A_245 = tpu.memref_slice %arg4[%dma_start3A, %dma_start3A_244] : memref<49408x768xf32, #tpu.memory_space<hbm>> -> memref<49408x768xf32, #tpu.memory_space<hbm>>
          tpu.enqueue_indirect_dma source(%dma_start3A_245 : memref<49408x768xf32, #tpu.memory_space<hbm>>) target(%arg13 : memref<16x768xf32, #tpu.memory_space<vmem>>) offsets(%get3A_243 : vector<16xi32>) semaphore(%arg18 : memref<!tpu.dma_semaphore, #tpu.memory_space<semaphore_mem>>)
        } else {
        }
      } else {
      }
      %mul3A_187 = arith.constant 5 : i32
      %mul3A_188 = arith.muli %mul3A_187, %scan3A_37 : i32
      %add3A_189 = arith.constant 4 : i32
      %add3A_190 = arith.addi %mul3A_188, %add3A_189 : i32
      %ge3A_191 = arith.constant 5 : i32
      %ge3A_192 = arith.cmpi sge, %add3A_190, %ge3A_191 : i32
      %sub3A_193 = arith.constant 5 : i32
      %sub3A_194 = arith.subi %add3A_190, %sub3A_193 : i32
      %lt3A_195 = arith.cmpi slt, %sub3A_194, %min3A : i32
      %add3A_196 = arith.addi %select_n3A, %sub3A_194 : i32
      %ne3A_197 = arith.constant 63 : i32
      %ne3A_198 = arith.cmpi ne, %add3A_196, %ne3A_197 : i32
      %and3A_199 = arith.andi %lt3A_195, %ne3A_198 : i1
      %and3A_200 = arith.andi %ge3A_192, %and3A_199 : i1
      %convert_element_type3A_201 = arith.extui %and3A_200 : i1 to i32
      %cond3A_202 = arith.constant 0 : i32
      %cond3A_203 = arith.cmpi ne, %convert_element_type3A_201, %cond3A_202 : i32
      scf.if %cond3A_203 {
        %add3A_225 = arith.addi %select_n3A, %add3A_190 : i32
        %sub3A_226 = arith.constant 5 : i32
        %sub3A_227 = arith.subi %add3A_225, %sub3A_226 : i32
        %lt3A_228 = arith.constant 62 : i32
        %lt3A_229 = arith.cmpi slt, %sub3A_227, %lt3A_228 : i32
        %mul3A_230 = arith.constant 16 : i32
        %mul3A_231 = arith.muli %mul3A_230, %sub3A_227 : i32
        %mul3A_232 = arith.constant 16 : i32
        %mul3A_233 = arith.muli %mul3A_232, %sub3A_227 : i32
        %add3A_234 = arith.constant 17000 : i32
        %add3A_235 = arith.addi %mul3A_233, %add3A_234 : i32
        %sub3A_236 = arith.constant 1024 : i32
        %sub3A_237 = arith.subi %add3A_235, %sub3A_236 : i32
        %select_n3A_238 = arith.select %lt3A_229, %mul3A_231, %sub3A_237 : i32
        %multiple_of3A = tpu.assume_multiple %select_n3A_238, 8 : i32
        %eq3A_239 = arith.constant 62 : i32
        %eq3A_240 = arith.cmpi eq, %sub3A_227, %eq3A_239 : i32
        %convert_element_type3A_241 = arith.extui %eq3A_240 : i1 to i32
        %cond3A_242 = arith.constant 0 : i32
        %cond3A_243 = arith.cmpi ne, %convert_element_type3A_241, %cond3A_242 : i32
        scf.if %cond3A_243 {
          %dma_wait3A = arith.constant 0 : i32
          %dma_wait3A_249 = arith.constant 0 : i32
          %dma_wait3A_250 = tpu.memref_slice %arg14[%dma_wait3A, %dma_wait3A_249] : memref<16x768xf32, #tpu.memory_space<vmem>> -> memref<8x768xf32, #tpu.memory_space<vmem>>
          %dma_wait3A_251 = arith.constant 992 : i32
          %dma_wait3A_252 = arith.constant 0 : i32
          %dma_wait3A_253 = tpu.memref_slice %arg6[%dma_wait3A_251, %dma_wait3A_252] : memref<77000x768xf32, #tpu.memory_space<hbm>> -> memref<8x768xf32, #tpu.memory_space<hbm>>
          %dma_wait3A_254 = arith.constant 992 : i32
          %dma_wait3A_255 = arith.constant 0 : i32
          %dma_wait3A_256 = tpu.memref_slice %arg6[%dma_wait3A_254, %dma_wait3A_255] : memref<77000x768xf32, #tpu.memory_space<hbm>> -> memref<8x768xf32, #tpu.memory_space<hbm>>
          %dma_wait3A_257 = arith.constant 0 : i32
          %dma_wait3A_258 = arith.constant 0 : i32
          %dma_wait3A_259 = tpu.memref_slice %arg14[%dma_wait3A_257, %dma_wait3A_258] : memref<16x768xf32, #tpu.memory_space<vmem>> -> memref<8x768xf32, #tpu.memory_space<vmem>>
          tpu.wait_dma2 semaphore(%arg24 : memref<!tpu.dma_semaphore, #tpu.memory_space<semaphore_mem>>) src(%dma_wait3A_259 : memref<8x768xf32, #tpu.memory_space<vmem>>) dst(%dma_wait3A_256 : memref<8x768xf32, #tpu.memory_space<hbm>>)
        } else {
        }
        %ne3A_244 = arith.constant 62 : i32
        %ne3A_245 = arith.cmpi ne, %sub3A_227, %ne3A_244 : i32
        %convert_element_type3A_246 = arith.extui %ne3A_245 : i1 to i32
        %cond3A_247 = arith.constant 0 : i32
        %cond3A_248 = arith.cmpi ne, %convert_element_type3A_246, %cond3A_247 : i32
        scf.if %cond3A_248 {
          %dma_wait3A = arith.constant 0 : i32
          %dma_wait3A_249 = tpu.memref_slice %arg6[%multiple_of3A, %dma_wait3A] : memref<77000x768xf32, #tpu.memory_space<hbm>> -> memref<16x768xf32, #tpu.memory_space<hbm>>
          %dma_wait3A_250 = arith.constant 0 : i32
          %dma_wait3A_251 = tpu.memref_slice %arg6[%multiple_of3A, %dma_wait3A_250] : memref<77000x768xf32, #tpu.memory_space<hbm>> -> memref<16x768xf32, #tpu.memory_space<hbm>>
          tpu.wait_dma2 semaphore(%arg24 : memref<!tpu.dma_semaphore, #tpu.memory_space<semaphore_mem>>) src(%arg14 : memref<16x768xf32, #tpu.memory_space<vmem>>) dst(%dma_wait3A_251 : memref<16x768xf32, #tpu.memory_space<hbm>>)
        } else {
        }
      } else {
      }
      %ge3A_204 = arith.constant 3 : i32
      %ge3A_205 = arith.cmpi sge, %add3A_190, %ge3A_204 : i32
      %sub3A_206 = arith.constant 3 : i32
      %sub3A_207 = arith.subi %add3A_190, %sub3A_206 : i32
      %lt3A_208 = arith.cmpi slt, %sub3A_207, %min3A : i32
      %add3A_209 = arith.addi %select_n3A, %sub3A_207 : i32
      %ne3A_210 = arith.constant 63 : i32
      %ne3A_211 = arith.cmpi ne, %add3A_209, %ne3A_210 : i32
      %and3A_212 = arith.andi %lt3A_208, %ne3A_211 : i1
      %and3A_213 = arith.andi %ge3A_205, %and3A_212 : i1
      %convert_element_type3A_214 = arith.extui %and3A_213 : i1 to i32
      %cond3A_215 = arith.constant 0 : i32
      %cond3A_216 = arith.cmpi ne, %convert_element_type3A_214, %cond3A_215 : i32
      scf.if %cond3A_216 {
        %dma_wait3A = arith.constant 0 : i32
        %dma_wait3A_225 = arith.constant 0 : i32
        %dma_wait3A_226 = tpu.memref_slice %arg4[%dma_wait3A, %dma_wait3A_225] : memref<49408x768xf32, #tpu.memory_space<hbm>> -> memref<16x768xf32, #tpu.memory_space<hbm>>
        %dma_wait3A_227 = arith.constant 0 : i32
        %dma_wait3A_228 = arith.constant 0 : i32
        %dma_wait3A_229 = tpu.memref_slice %arg4[%dma_wait3A_227, %dma_wait3A_228] : memref<49408x768xf32, #tpu.memory_space<hbm>> -> memref<16x768xf32, #tpu.memory_space<hbm>>
        tpu.wait_dma2 semaphore(%arg16 : memref<!tpu.dma_semaphore, #tpu.memory_space<semaphore_mem>>) src(%dma_wait3A_229 : memref<16x768xf32, #tpu.memory_space<hbm>>) dst(%arg11 : memref<16x768xf32, #tpu.memory_space<vmem>>)
        %add3A_230 = arith.addi %select_n3A, %add3A_190 : i32
        %sub3A_231 = arith.constant 3 : i32
        %sub3A_232 = arith.subi %add3A_230, %sub3A_231 : i32
        %lt3A_233 = arith.constant 62 : i32
        %lt3A_234 = arith.cmpi slt, %sub3A_232, %lt3A_233 : i32
        %mul3A_235 = arith.constant 16 : i32
        %mul3A_236 = arith.muli %mul3A_235, %sub3A_232 : i32
        %mul3A_237 = arith.constant 16 : i32
        %mul3A_238 = arith.muli %mul3A_237, %sub3A_232 : i32
        %add3A_239 = arith.constant 17000 : i32
        %add3A_240 = arith.addi %mul3A_238, %add3A_239 : i32
        %sub3A_241 = arith.constant 1024 : i32
        %sub3A_242 = arith.subi %add3A_240, %sub3A_241 : i32
        %select_n3A_243 = arith.select %lt3A_234, %mul3A_236, %sub3A_242 : i32
        %multiple_of3A = tpu.assume_multiple %select_n3A_243, 8 : i32
        %eq3A_244 = arith.constant 62 : i32
        %eq3A_245 = arith.cmpi eq, %sub3A_232, %eq3A_244 : i32
        %convert_element_type3A_246 = arith.extui %eq3A_245 : i1 to i32
        %cond3A_247 = arith.constant 0 : i32
        %cond3A_248 = arith.cmpi ne, %convert_element_type3A_246, %cond3A_247 : i32
        scf.if %cond3A_248 {
          %dma_start3A = arith.constant 0 : i32
          %dma_start3A_254 = arith.constant 0 : i32
          %dma_start3A_255 = tpu.memref_slice %arg11[%dma_start3A, %dma_start3A_254] : memref<16x768xf32, #tpu.memory_space<vmem>> -> memref<8x768xf32, #tpu.memory_space<vmem>>
          %dma_start3A_256 = arith.constant 992 : i32
          %dma_start3A_257 = arith.constant 0 : i32
          %dma_start3A_258 = tpu.memref_slice %arg6[%dma_start3A_256, %dma_start3A_257] : memref<77000x768xf32, #tpu.memory_space<hbm>> -> memref<8x768xf32, #tpu.memory_space<hbm>>
          %dma_start3A_259 = arith.constant 992 : i32
          %dma_start3A_260 = arith.constant 0 : i32
          %dma_start3A_261 = tpu.memref_slice %arg6[%dma_start3A_259, %dma_start3A_260] : memref<77000x768xf32, #tpu.memory_space<hbm>> -> memref<8x768xf32, #tpu.memory_space<hbm>>
          %dma_start3A_262 = arith.constant 0 : i32
          %dma_start3A_263 = arith.constant 0 : i32
          %dma_start3A_264 = tpu.memref_slice %arg11[%dma_start3A_262, %dma_start3A_263] : memref<16x768xf32, #tpu.memory_space<vmem>> -> memref<8x768xf32, #tpu.memory_space<vmem>>
          tpu.enqueue_dma source(%dma_start3A_264 : memref<8x768xf32, #tpu.memory_space<vmem>>) target(%dma_start3A_261 : memref<8x768xf32, #tpu.memory_space<hbm>>) target_semaphore(%arg21 : memref<!tpu.dma_semaphore, #tpu.memory_space<semaphore_mem>>)
        } else {
        }
        %ne3A_249 = arith.constant 62 : i32
        %ne3A_250 = arith.cmpi ne, %sub3A_232, %ne3A_249 : i32
        %convert_element_type3A_251 = arith.extui %ne3A_250 : i1 to i32
        %cond3A_252 = arith.constant 0 : i32
        %cond3A_253 = arith.cmpi ne, %convert_element_type3A_251, %cond3A_252 : i32
        scf.if %cond3A_253 {
          %dma_start3A = arith.constant 0 : i32
          %dma_start3A_254 = tpu.memref_slice %arg6[%multiple_of3A, %dma_start3A] : memref<77000x768xf32, #tpu.memory_space<hbm>> -> memref<16x768xf32, #tpu.memory_space<hbm>>
          %dma_start3A_255 = arith.constant 0 : i32
          %dma_start3A_256 = tpu.memref_slice %arg6[%multiple_of3A, %dma_start3A_255] : memref<77000x768xf32, #tpu.memory_space<hbm>> -> memref<16x768xf32, #tpu.memory_space<hbm>>
          tpu.enqueue_dma source(%arg11 : memref<16x768xf32, #tpu.memory_space<vmem>>) target(%dma_start3A_256 : memref<16x768xf32, #tpu.memory_space<hbm>>) target_semaphore(%arg21 : memref<!tpu.dma_semaphore, #tpu.memory_space<semaphore_mem>>)
        } else {
        }
      } else {
      }
      %lt3A_217 = arith.cmpi slt, %add3A_190, %min3A : i32
      %add3A_218 = arith.addi %select_n3A, %add3A_190 : i32
      %ne3A_219 = arith.constant 63 : i32
      %ne3A_220 = arith.cmpi ne, %add3A_218, %ne3A_219 : i32
      %and3A_221 = arith.andi %lt3A_217, %ne3A_220 : i1
      %convert_element_type3A_222 = arith.extui %and3A_221 : i1 to i32
      %cond3A_223 = arith.constant 0 : i32
      %cond3A_224 = arith.cmpi ne, %convert_element_type3A_222, %cond3A_223 : i32
      scf.if %cond3A_224 {
        %add3A_225 = arith.addi %select_n3A, %add3A_190 : i32
        %lt3A_226 = arith.constant 64 : i32
        %lt3A_227 = arith.cmpi slt, %add3A_225, %lt3A_226 : i32
        %convert_element_type3A_228 = arith.extui %lt3A_227 : i1 to i32
        %cond3A_229 = arith.constant 0 : i32
        %cond3A_230 = arith.cmpi ne, %convert_element_type3A_228, %cond3A_229 : i32
        scf.if %cond3A_230 {
          %get3A = arith.index_cast %add3A_190 : i32 to index
          %get3A_236 = arith.constant 0 : index
          %get3A_237 = tpu.vector_load %arg7[%get3A, %get3A_236] {strides = array<i32>} : memref<64x16xi32, #tpu.memory_space<vmem>>, vector<1x16xi32>,
          %get3A_238 = vector.shape_cast %get3A_237 : vector<1x16xi32> to vector<16xi32>
          %dma_start3A = arith.constant 0 : i32
          %dma_start3A_239 = arith.constant 0 : i32
          %dma_start3A_240 = tpu.memref_slice %arg4[%dma_start3A, %dma_start3A_239] : memref<49408x768xf32, #tpu.memory_space<hbm>> -> memref<49408x768xf32, #tpu.memory_space<hbm>>
          tpu.enqueue_indirect_dma source(%dma_start3A_240 : memref<49408x768xf32, #tpu.memory_space<hbm>>) target(%arg14 : memref<16x768xf32, #tpu.memory_space<vmem>>) offsets(%get3A_238 : vector<16xi32>) semaphore(%arg19 : memref<!tpu.dma_semaphore, #tpu.memory_space<semaphore_mem>>)
        } else {
        }
        %ge3A_231 = arith.constant 64 : i32
        %ge3A_232 = arith.cmpi sge, %add3A_225, %ge3A_231 : i32
        %convert_element_type3A_233 = arith.extui %ge3A_232 : i1 to i32
        %cond3A_234 = arith.constant 0 : i32
        %cond3A_235 = arith.cmpi ne, %convert_element_type3A_233, %cond3A_234 : i32
        scf.if %cond3A_235 {
          %eq3A_236 = arith.constant 0 : i32
          %eq3A_237 = arith.cmpi eq, %add3A, %eq3A_236 : i32
          %sub3A_238 = arith.constant 64 : i32
          %sub3A_239 = arith.subi %add3A_190, %sub3A_238 : i32
          %select_n3A_240 = arith.select %eq3A_237, %sub3A_239, %add3A_190 : i32
          %get3A = arith.index_cast %select_n3A_240 : i32 to index
          %get3A_241 = arith.constant 0 : index
          %get3A_242 = tpu.vector_load %arg8[%get3A, %get3A_241] {strides = array<i32>} : memref<152x16xi32, #tpu.memory_space<vmem>>, vector<1x16xi32>,
          %get3A_243 = vector.shape_cast %get3A_242 : vector<1x16xi32> to vector<16xi32>
          %dma_start3A = arith.constant 0 : i32
          %dma_start3A_244 = arith.constant 0 : i32
          %dma_start3A_245 = tpu.memref_slice %arg4[%dma_start3A, %dma_start3A_244] : memref<49408x768xf32, #tpu.memory_space<hbm>> -> memref<49408x768xf32, #tpu.memory_space<hbm>>
          tpu.enqueue_indirect_dma source(%dma_start3A_245 : memref<49408x768xf32, #tpu.memory_space<hbm>>) target(%arg14 : memref<16x768xf32, #tpu.memory_space<vmem>>) offsets(%get3A_243 : vector<16xi32>) semaphore(%arg19 : memref<!tpu.dma_semaphore, #tpu.memory_space<semaphore_mem>>)
        } else {
        }
      } else {
      }
    }
    %scan3A_31 = arith.constant 32 : i32
    %lt3A_32 = arith.constant 16 : i32
    %lt3A_33 = arith.cmpi slt, %add3A, %lt3A_32 : i32
    %convert_element_type3A_34 = arith.extui %lt3A_33 : i1 to i32
    %cond3A_35 = arith.constant 0 : i32
    %cond3A_36 = arith.cmpi ne, %convert_element_type3A_34, %cond3A_35 : i32
    scf.if %cond3A_36 {
      %dma_wait3A = arith.constant 0 : i32
      %dma_wait3A_37 = arith.constant 0 : i32
      %dma_wait3A_38 = tpu.memref_slice %arg6[%dma_wait3A, %dma_wait3A_37] : memref<77000x768xf32, #tpu.memory_space<hbm>> -> memref<40x768xf32, #tpu.memory_space<hbm>>
      %dma_wait3A_39 = arith.constant 0 : i32
      %dma_wait3A_40 = arith.constant 0 : i32
      %dma_wait3A_41 = tpu.memref_slice %arg6[%dma_wait3A_39, %dma_wait3A_40] : memref<77000x768xf32, #tpu.memory_space<hbm>> -> memref<40x768xf32, #tpu.memory_space<hbm>>
      tpu.wait_dma2 semaphore(%arg25 : memref<!tpu.dma_semaphore, #tpu.memory_space<semaphore_mem>>) src(%arg9 : memref<40x768xf32, #tpu.memory_space<vmem>>) dst(%dma_wait3A_41 : memref<40x768xf32, #tpu.memory_space<hbm>>)
      %dma_wait3A_42 = arith.constant 0 : i32
      %dma_wait3A_43 = arith.constant 0 : i32
      %dma_wait3A_44 = tpu.memref_slice %arg6[%dma_wait3A_42, %dma_wait3A_43] : memref<77000x768xf32, #tpu.memory_space<hbm>> -> memref<40x768xf32, #tpu.memory_space<hbm>>
      %dma_wait3A_45 = arith.constant 0 : i32
      %dma_wait3A_46 = arith.constant 0 : i32
      %dma_wait3A_47 = tpu.memref_slice %arg6[%dma_wait3A_45, %dma_wait3A_46] : memref<77000x768xf32, #tpu.memory_space<hbm>> -> memref<40x768xf32, #tpu.memory_space<hbm>>
      tpu.wait_dma2 semaphore(%arg25 : memref<!tpu.dma_semaphore, #tpu.memory_space<semaphore_mem>>) src(%arg9 : memref<40x768xf32, #tpu.memory_space<vmem>>) dst(%dma_wait3A_47 : memref<40x768xf32, #tpu.memory_space<hbm>>)
      %dma_wait3A_48 = arith.constant 0 : i32
      %dma_wait3A_49 = arith.constant 0 : i32
      %dma_wait3A_50 = tpu.memref_slice %arg6[%dma_wait3A_48, %dma_wait3A_49] : memref<77000x768xf32, #tpu.memory_space<hbm>> -> memref<40x768xf32, #tpu.memory_space<hbm>>
      %dma_wait3A_51 = arith.constant 0 : i32
      %dma_wait3A_52 = arith.constant 0 : i32
      %dma_wait3A_53 = tpu.memref_slice %arg6[%dma_wait3A_51, %dma_wait3A_52] : memref<77000x768xf32, #tpu.memory_space<hbm>> -> memref<40x768xf32, #tpu.memory_space<hbm>>
      tpu.wait_dma2 semaphore(%arg25 : memref<!tpu.dma_semaphore, #tpu.memory_space<semaphore_mem>>) src(%arg9 : memref<40x768xf32, #tpu.memory_space<vmem>>) dst(%dma_wait3A_53 : memref<40x768xf32, #tpu.memory_space<hbm>>)
      %dma_wait3A_54 = arith.constant 0 : i32
      %dma_wait3A_55 = arith.constant 0 : i32
      %dma_wait3A_56 = tpu.memref_slice %arg6[%dma_wait3A_54, %dma_wait3A_55] : memref<77000x768xf32, #tpu.memory_space<hbm>> -> memref<40x768xf32, #tpu.memory_space<hbm>>
      %dma_wait3A_57 = arith.constant 0 : i32
      %dma_wait3A_58 = arith.constant 0 : i32
      %dma_wait3A_59 = tpu.memref_slice %arg6[%dma_wait3A_57, %dma_wait3A_58] : memref<77000x768xf32, #tpu.memory_space<hbm>> -> memref<40x768xf32, #tpu.memory_space<hbm>>
      tpu.wait_dma2 semaphore(%arg25 : memref<!tpu.dma_semaphore, #tpu.memory_space<semaphore_mem>>) src(%arg9 : memref<40x768xf32, #tpu.memory_space<vmem>>) dst(%dma_wait3A_59 : memref<40x768xf32, #tpu.memory_space<hbm>>)
      %dma_wait3A_60 = arith.constant 0 : i32
      %dma_wait3A_61 = arith.constant 0 : i32
      %dma_wait3A_62 = tpu.memref_slice %arg6[%dma_wait3A_60, %dma_wait3A_61] : memref<77000x768xf32, #tpu.memory_space<hbm>> -> memref<40x768xf32, #tpu.memory_space<hbm>>
      %dma_wait3A_63 = arith.constant 0 : i32
      %dma_wait3A_64 = arith.constant 0 : i32
      %dma_wait3A_65 = tpu.memref_slice %arg6[%dma_wait3A_63, %dma_wait3A_64] : memref<77000x768xf32, #tpu.memory_space<hbm>> -> memref<40x768xf32, #tpu.memory_space<hbm>>
      tpu.wait_dma2 semaphore(%arg25 : memref<!tpu.dma_semaphore, #tpu.memory_space<semaphore_mem>>) src(%arg9 : memref<40x768xf32, #tpu.memory_space<vmem>>) dst(%dma_wait3A_65 : memref<40x768xf32, #tpu.memory_space<hbm>>)
      %dma_wait3A_66 = arith.constant 0 : i32
      %dma_wait3A_67 = arith.constant 0 : i32
      %dma_wait3A_68 = tpu.memref_slice %arg6[%dma_wait3A_66, %dma_wait3A_67] : memref<77000x768xf32, #tpu.memory_space<hbm>> -> memref<40x768xf32, #tpu.memory_space<hbm>>
      %dma_wait3A_69 = arith.constant 0 : i32
      %dma_wait3A_70 = arith.constant 0 : i32
      %dma_wait3A_71 = tpu.memref_slice %arg6[%dma_wait3A_69, %dma_wait3A_70] : memref<77000x768xf32, #tpu.memory_space<hbm>> -> memref<40x768xf32, #tpu.memory_space<hbm>>
      tpu.wait_dma2 semaphore(%arg25 : memref<!tpu.dma_semaphore, #tpu.memory_space<semaphore_mem>>) src(%arg9 : memref<40x768xf32, #tpu.memory_space<vmem>>) dst(%dma_wait3A_71 : memref<40x768xf32, #tpu.memory_space<hbm>>)
      %dma_wait3A_72 = arith.constant 0 : i32
      %dma_wait3A_73 = arith.constant 0 : i32
      %dma_wait3A_74 = tpu.memref_slice %arg6[%dma_wait3A_72, %dma_wait3A_73] : memref<77000x768xf32, #tpu.memory_space<hbm>> -> memref<40x768xf32, #tpu.memory_space<hbm>>
      %dma_wait3A_75 = arith.constant 0 : i32
      %dma_wait3A_76 = arith.constant 0 : i32
      %dma_wait3A_77 = tpu.memref_slice %arg6[%dma_wait3A_75, %dma_wait3A_76] : memref<77000x768xf32, #tpu.memory_space<hbm>> -> memref<40x768xf32, #tpu.memory_space<hbm>>
      tpu.wait_dma2 semaphore(%arg25 : memref<!tpu.dma_semaphore, #tpu.memory_space<semaphore_mem>>) src(%arg9 : memref<40x768xf32, #tpu.memory_space<vmem>>) dst(%dma_wait3A_77 : memref<40x768xf32, #tpu.memory_space<hbm>>)
      %dma_wait3A_78 = arith.constant 0 : i32
      %dma_wait3A_79 = arith.constant 0 : i32
      %dma_wait3A_80 = tpu.memref_slice %arg6[%dma_wait3A_78, %dma_wait3A_79] : memref<77000x768xf32, #tpu.memory_space<hbm>> -> memref<40x768xf32, #tpu.memory_space<hbm>>
      %dma_wait3A_81 = arith.constant 0 : i32
      %dma_wait3A_82 = arith.constant 0 : i32
      %dma_wait3A_83 = tpu.memref_slice %arg6[%dma_wait3A_81, %dma_wait3A_82] : memref<77000x768xf32, #tpu.memory_space<hbm>> -> memref<40x768xf32, #tpu.memory_space<hbm>>
      tpu.wait_dma2 semaphore(%arg25 : memref<!tpu.dma_semaphore, #tpu.memory_space<semaphore_mem>>) src(%arg9 : memref<40x768xf32, #tpu.memory_space<vmem>>) dst(%dma_wait3A_83 : memref<40x768xf32, #tpu.memory_space<hbm>>)
      %dma_wait3A_84 = arith.constant 0 : i32
      %dma_wait3A_85 = arith.constant 0 : i32
      %dma_wait3A_86 = tpu.memref_slice %arg6[%dma_wait3A_84, %dma_wait3A_85] : memref<77000x768xf32, #tpu.memory_space<hbm>> -> memref<40x768xf32, #tpu.memory_space<hbm>>
      %dma_wait3A_87 = arith.constant 0 : i32
      %dma_wait3A_88 = arith.constant 0 : i32
      %dma_wait3A_89 = tpu.memref_slice %arg6[%dma_wait3A_87, %dma_wait3A_88] : memref<77000x768xf32, #tpu.memory_space<hbm>> -> memref<40x768xf32, #tpu.memory_space<hbm>>
      tpu.wait_dma2 semaphore(%arg25 : memref<!tpu.dma_semaphore, #tpu.memory_space<semaphore_mem>>) src(%arg9 : memref<40x768xf32, #tpu.memory_space<vmem>>) dst(%dma_wait3A_89 : memref<40x768xf32, #tpu.memory_space<hbm>>)
      %dma_wait3A_90 = arith.constant 0 : i32
      %dma_wait3A_91 = arith.constant 0 : i32
      %dma_wait3A_92 = tpu.memref_slice %arg6[%dma_wait3A_90, %dma_wait3A_91] : memref<77000x768xf32, #tpu.memory_space<hbm>> -> memref<40x768xf32, #tpu.memory_space<hbm>>
      %dma_wait3A_93 = arith.constant 0 : i32
      %dma_wait3A_94 = arith.constant 0 : i32
      %dma_wait3A_95 = tpu.memref_slice %arg6[%dma_wait3A_93, %dma_wait3A_94] : memref<77000x768xf32, #tpu.memory_space<hbm>> -> memref<40x768xf32, #tpu.memory_space<hbm>>
      tpu.wait_dma2 semaphore(%arg25 : memref<!tpu.dma_semaphore, #tpu.memory_space<semaphore_mem>>) src(%arg9 : memref<40x768xf32, #tpu.memory_space<vmem>>) dst(%dma_wait3A_95 : memref<40x768xf32, #tpu.memory_space<hbm>>)
      %dma_wait3A_96 = arith.constant 0 : i32
      %dma_wait3A_97 = arith.constant 0 : i32
      %dma_wait3A_98 = tpu.memref_slice %arg6[%dma_wait3A_96, %dma_wait3A_97] : memref<77000x768xf32, #tpu.memory_space<hbm>> -> memref<40x768xf32, #tpu.memory_space<hbm>>
      %dma_wait3A_99 = arith.constant 0 : i32
      %dma_wait3A_100 = arith.constant 0 : i32
      %dma_wait3A_101 = tpu.memref_slice %arg6[%dma_wait3A_99, %dma_wait3A_100] : memref<77000x768xf32, #tpu.memory_space<hbm>> -> memref<40x768xf32, #tpu.memory_space<hbm>>
      tpu.wait_dma2 semaphore(%arg25 : memref<!tpu.dma_semaphore, #tpu.memory_space<semaphore_mem>>) src(%arg9 : memref<40x768xf32, #tpu.memory_space<vmem>>) dst(%dma_wait3A_101 : memref<40x768xf32, #tpu.memory_space<hbm>>)
      %dma_wait3A_102 = arith.constant 0 : i32
      %dma_wait3A_103 = arith.constant 0 : i32
      %dma_wait3A_104 = tpu.memref_slice %arg6[%dma_wait3A_102, %dma_wait3A_103] : memref<77000x768xf32, #tpu.memory_space<hbm>> -> memref<40x768xf32, #tpu.memory_space<hbm>>
      %dma_wait3A_105 = arith.constant 0 : i32
      %dma_wait3A_106 = arith.constant 0 : i32
      %dma_wait3A_107 = tpu.memref_slice %arg6[%dma_wait3A_105, %dma_wait3A_106] : memref<77000x768xf32, #tpu.memory_space<hbm>> -> memref<40x768xf32, #tpu.memory_space<hbm>>
      tpu.wait_dma2 semaphore(%arg25 : memref<!tpu.dma_semaphore, #tpu.memory_space<semaphore_mem>>) src(%arg9 : memref<40x768xf32, #tpu.memory_space<vmem>>) dst(%dma_wait3A_107 : memref<40x768xf32, #tpu.memory_space<hbm>>)
      %dma_wait3A_108 = arith.constant 0 : i32
      %dma_wait3A_109 = arith.constant 0 : i32
      %dma_wait3A_110 = tpu.memref_slice %arg6[%dma_wait3A_108, %dma_wait3A_109] : memref<77000x768xf32, #tpu.memory_space<hbm>> -> memref<40x768xf32, #tpu.memory_space<hbm>>
      %dma_wait3A_111 = arith.constant 0 : i32
      %dma_wait3A_112 = arith.constant 0 : i32
      %dma_wait3A_113 = tpu.memref_slice %arg6[%dma_wait3A_111, %dma_wait3A_112] : memref<77000x768xf32, #tpu.memory_space<hbm>> -> memref<40x768xf32, #tpu.memory_space<hbm>>
      tpu.wait_dma2 semaphore(%arg25 : memref<!tpu.dma_semaphore, #tpu.memory_space<semaphore_mem>>) src(%arg9 : memref<40x768xf32, #tpu.memory_space<vmem>>) dst(%dma_wait3A_113 : memref<40x768xf32, #tpu.memory_space<hbm>>)
      %dma_wait3A_114 = arith.constant 0 : i32
      %dma_wait3A_115 = arith.constant 0 : i32
      %dma_wait3A_116 = tpu.memref_slice %arg6[%dma_wait3A_114, %dma_wait3A_115] : memref<77000x768xf32, #tpu.memory_space<hbm>> -> memref<40x768xf32, #tpu.memory_space<hbm>>
      %dma_wait3A_117 = arith.constant 0 : i32
      %dma_wait3A_118 = arith.constant 0 : i32
      %dma_wait3A_119 = tpu.memref_slice %arg6[%dma_wait3A_117, %dma_wait3A_118] : memref<77000x768xf32, #tpu.memory_space<hbm>> -> memref<40x768xf32, #tpu.memory_space<hbm>>
      tpu.wait_dma2 semaphore(%arg25 : memref<!tpu.dma_semaphore, #tpu.memory_space<semaphore_mem>>) src(%arg9 : memref<40x768xf32, #tpu.memory_space<vmem>>) dst(%dma_wait3A_119 : memref<40x768xf32, #tpu.memory_space<hbm>>)
      %dma_wait3A_120 = arith.constant 0 : i32
      %dma_wait3A_121 = arith.constant 0 : i32
      %dma_wait3A_122 = tpu.memref_slice %arg6[%dma_wait3A_120, %dma_wait3A_121] : memref<77000x768xf32, #tpu.memory_space<hbm>> -> memref<40x768xf32, #tpu.memory_space<hbm>>
      %dma_wait3A_123 = arith.constant 0 : i32
      %dma_wait3A_124 = arith.constant 0 : i32
      %dma_wait3A_125 = tpu.memref_slice %arg6[%dma_wait3A_123, %dma_wait3A_124] : memref<77000x768xf32, #tpu.memory_space<hbm>> -> memref<40x768xf32, #tpu.memory_space<hbm>>
      tpu.wait_dma2 semaphore(%arg25 : memref<!tpu.dma_semaphore, #tpu.memory_space<semaphore_mem>>) src(%arg9 : memref<40x768xf32, #tpu.memory_space<vmem>>) dst(%dma_wait3A_125 : memref<40x768xf32, #tpu.memory_space<hbm>>)
      %dma_wait3A_126 = arith.constant 0 : i32
      %dma_wait3A_127 = arith.constant 0 : i32
      %dma_wait3A_128 = tpu.memref_slice %arg6[%dma_wait3A_126, %dma_wait3A_127] : memref<77000x768xf32, #tpu.memory_space<hbm>> -> memref<40x768xf32, #tpu.memory_space<hbm>>
      %dma_wait3A_129 = arith.constant 0 : i32
      %dma_wait3A_130 = arith.constant 0 : i32
      %dma_wait3A_131 = tpu.memref_slice %arg6[%dma_wait3A_129, %dma_wait3A_130] : memref<77000x768xf32, #tpu.memory_space<hbm>> -> memref<40x768xf32, #tpu.memory_space<hbm>>
      tpu.wait_dma2 semaphore(%arg25 : memref<!tpu.dma_semaphore, #tpu.memory_space<semaphore_mem>>) src(%arg9 : memref<40x768xf32, #tpu.memory_space<vmem>>) dst(%dma_wait3A_131 : memref<40x768xf32, #tpu.memory_space<hbm>>)
      %dma_wait3A_132 = arith.constant 0 : i32
      %dma_wait3A_133 = arith.constant 0 : i32
      %dma_wait3A_134 = tpu.memref_slice %arg6[%dma_wait3A_132, %dma_wait3A_133] : memref<77000x768xf32, #tpu.memory_space<hbm>> -> memref<40x768xf32, #tpu.memory_space<hbm>>
      %dma_wait3A_135 = arith.constant 0 : i32
      %dma_wait3A_136 = arith.constant 0 : i32
      %dma_wait3A_137 = tpu.memref_slice %arg6[%dma_wait3A_135, %dma_wait3A_136] : memref<77000x768xf32, #tpu.memory_space<hbm>> -> memref<40x768xf32, #tpu.memory_space<hbm>>
      tpu.wait_dma2 semaphore(%arg25 : memref<!tpu.dma_semaphore, #tpu.memory_space<semaphore_mem>>) src(%arg9 : memref<40x768xf32, #tpu.memory_space<vmem>>) dst(%dma_wait3A_137 : memref<40x768xf32, #tpu.memory_space<hbm>>)
      %dma_wait3A_138 = arith.constant 0 : i32
      %dma_wait3A_139 = arith.constant 0 : i32
      %dma_wait3A_140 = tpu.memref_slice %arg6[%dma_wait3A_138, %dma_wait3A_139] : memref<77000x768xf32, #tpu.memory_space<hbm>> -> memref<40x768xf32, #tpu.memory_space<hbm>>
      %dma_wait3A_141 = arith.constant 0 : i32
      %dma_wait3A_142 = arith.constant 0 : i32
      %dma_wait3A_143 = tpu.memref_slice %arg6[%dma_wait3A_141, %dma_wait3A_142] : memref<77000x768xf32, #tpu.memory_space<hbm>> -> memref<40x768xf32, #tpu.memory_space<hbm>>
      tpu.wait_dma2 semaphore(%arg25 : memref<!tpu.dma_semaphore, #tpu.memory_space<semaphore_mem>>) src(%arg9 : memref<40x768xf32, #tpu.memory_space<vmem>>) dst(%dma_wait3A_143 : memref<40x768xf32, #tpu.memory_space<hbm>>)
      %dma_wait3A_144 = arith.constant 0 : i32
      %dma_wait3A_145 = arith.constant 0 : i32
      %dma_wait3A_146 = tpu.memref_slice %arg6[%dma_wait3A_144, %dma_wait3A_145] : memref<77000x768xf32, #tpu.memory_space<hbm>> -> memref<40x768xf32, #tpu.memory_space<hbm>>
      %dma_wait3A_147 = arith.constant 0 : i32
      %dma_wait3A_148 = arith.constant 0 : i32
      %dma_wait3A_149 = tpu.memref_slice %arg6[%dma_wait3A_147, %dma_wait3A_148] : memref<77000x768xf32, #tpu.memory_space<hbm>> -> memref<40x768xf32, #tpu.memory_space<hbm>>
      tpu.wait_dma2 semaphore(%arg25 : memref<!tpu.dma_semaphore, #tpu.memory_space<semaphore_mem>>) src(%arg9 : memref<40x768xf32, #tpu.memory_space<vmem>>) dst(%dma_wait3A_149 : memref<40x768xf32, #tpu.memory_space<hbm>>)
      %dma_wait3A_150 = arith.constant 0 : i32
      %dma_wait3A_151 = arith.constant 0 : i32
      %dma_wait3A_152 = tpu.memref_slice %arg6[%dma_wait3A_150, %dma_wait3A_151] : memref<77000x768xf32, #tpu.memory_space<hbm>> -> memref<40x768xf32, #tpu.memory_space<hbm>>
      %dma_wait3A_153 = arith.constant 0 : i32
      %dma_wait3A_154 = arith.constant 0 : i32
      %dma_wait3A_155 = tpu.memref_slice %arg6[%dma_wait3A_153, %dma_wait3A_154] : memref<77000x768xf32, #tpu.memory_space<hbm>> -> memref<40x768xf32, #tpu.memory_space<hbm>>
      tpu.wait_dma2 semaphore(%arg25 : memref<!tpu.dma_semaphore, #tpu.memory_space<semaphore_mem>>) src(%arg9 : memref<40x768xf32, #tpu.memory_space<vmem>>) dst(%dma_wait3A_155 : memref<40x768xf32, #tpu.memory_space<hbm>>)
      %dma_wait3A_156 = arith.constant 0 : i32
      %dma_wait3A_157 = arith.constant 0 : i32
      %dma_wait3A_158 = tpu.memref_slice %arg6[%dma_wait3A_156, %dma_wait3A_157] : memref<77000x768xf32, #tpu.memory_space<hbm>> -> memref<40x768xf32, #tpu.memory_space<hbm>>
      %dma_wait3A_159 = arith.constant 0 : i32
      %dma_wait3A_160 = arith.constant 0 : i32
      %dma_wait3A_161 = tpu.memref_slice %arg6[%dma_wait3A_159, %dma_wait3A_160] : memref<77000x768xf32, #tpu.memory_space<hbm>> -> memref<40x768xf32, #tpu.memory_space<hbm>>
      tpu.wait_dma2 semaphore(%arg25 : memref<!tpu.dma_semaphore, #tpu.memory_space<semaphore_mem>>) src(%arg9 : memref<40x768xf32, #tpu.memory_space<vmem>>) dst(%dma_wait3A_161 : memref<40x768xf32, #tpu.memory_space<hbm>>)
      %dma_wait3A_162 = arith.constant 0 : i32
      %dma_wait3A_163 = arith.constant 0 : i32
      %dma_wait3A_164 = tpu.memref_slice %arg6[%dma_wait3A_162, %dma_wait3A_163] : memref<77000x768xf32, #tpu.memory_space<hbm>> -> memref<40x768xf32, #tpu.memory_space<hbm>>
      %dma_wait3A_165 = arith.constant 0 : i32
      %dma_wait3A_166 = arith.constant 0 : i32
      %dma_wait3A_167 = tpu.memref_slice %arg6[%dma_wait3A_165, %dma_wait3A_166] : memref<77000x768xf32, #tpu.memory_space<hbm>> -> memref<40x768xf32, #tpu.memory_space<hbm>>
      tpu.wait_dma2 semaphore(%arg25 : memref<!tpu.dma_semaphore, #tpu.memory_space<semaphore_mem>>) src(%arg9 : memref<40x768xf32, #tpu.memory_space<vmem>>) dst(%dma_wait3A_167 : memref<40x768xf32, #tpu.memory_space<hbm>>)
      %dma_wait3A_168 = arith.constant 0 : i32
      %dma_wait3A_169 = arith.constant 0 : i32
      %dma_wait3A_170 = tpu.memref_slice %arg6[%dma_wait3A_168, %dma_wait3A_169] : memref<77000x768xf32, #tpu.memory_space<hbm>> -> memref<40x768xf32, #tpu.memory_space<hbm>>
      %dma_wait3A_171 = arith.constant 0 : i32
      %dma_wait3A_172 = arith.constant 0 : i32
      %dma_wait3A_173 = tpu.memref_slice %arg6[%dma_wait3A_171, %dma_wait3A_172] : memref<77000x768xf32, #tpu.memory_space<hbm>> -> memref<40x768xf32, #tpu.memory_space<hbm>>
      tpu.wait_dma2 semaphore(%arg25 : memref<!tpu.dma_semaphore, #tpu.memory_space<semaphore_mem>>) src(%arg9 : memref<40x768xf32, #tpu.memory_space<vmem>>) dst(%dma_wait3A_173 : memref<40x768xf32, #tpu.memory_space<hbm>>)
      %dma_wait3A_174 = arith.constant 0 : i32
      %dma_wait3A_175 = arith.constant 0 : i32
      %dma_wait3A_176 = tpu.memref_slice %arg6[%dma_wait3A_174, %dma_wait3A_175] : memref<77000x768xf32, #tpu.memory_space<hbm>> -> memref<40x768xf32, #tpu.memory_space<hbm>>
      %dma_wait3A_177 = arith.constant 0 : i32
      %dma_wait3A_178 = arith.constant 0 : i32
      %dma_wait3A_179 = tpu.memref_slice %arg6[%dma_wait3A_177, %dma_wait3A_178] : memref<77000x768xf32, #tpu.memory_space<hbm>> -> memref<40x768xf32, #tpu.memory_space<hbm>>
      tpu.wait_dma2 semaphore(%arg25 : memref<!tpu.dma_semaphore, #tpu.memory_space<semaphore_mem>>) src(%arg9 : memref<40x768xf32, #tpu.memory_space<vmem>>) dst(%dma_wait3A_179 : memref<40x768xf32, #tpu.memory_space<hbm>>)
      %dma_wait3A_180 = arith.constant 0 : i32
      %dma_wait3A_181 = arith.constant 0 : i32
      %dma_wait3A_182 = tpu.memref_slice %arg6[%dma_wait3A_180, %dma_wait3A_181] : memref<77000x768xf32, #tpu.memory_space<hbm>> -> memref<40x768xf32, #tpu.memory_space<hbm>>
      %dma_wait3A_183 = arith.constant 0 : i32
      %dma_wait3A_184 = arith.constant 0 : i32
      %dma_wait3A_185 = tpu.memref_slice %arg6[%dma_wait3A_183, %dma_wait3A_184] : memref<77000x768xf32, #tpu.memory_space<hbm>> -> memref<40x768xf32, #tpu.memory_space<hbm>>
      tpu.wait_dma2 semaphore(%arg25 : memref<!tpu.dma_semaphore, #tpu.memory_space<semaphore_mem>>) src(%arg9 : memref<40x768xf32, #tpu.memory_space<vmem>>) dst(%dma_wait3A_185 : memref<40x768xf32, #tpu.memory_space<hbm>>)
    } else {
    }
    return
  }
}

</mosaic_0001>

<sc_bundles>
// kernel: kernel.3.cloned.1.call-start
scs
__scs_entry_jumppad:
0x0: {  	(pc) =	sbr.rel $0x88, $3  }
0x1: {  	(tag) =	ssettag $0x0;
	lr =	simm.s32 $0x1  }
0x2: {  	[smem:$0x3F9E] =	sst lr;
	_ =	strace $0xD0000000  }
0x3: {  	_ = 	snop  }
0x4: {  	_ = 	snop  }
0x5: {  	_ = 	snop  }
0x6: {  	_ = 	snop  }
0x7: {  	_ = 	snop  }
__scs_overlays_trampoline_lowered:
0x8: {  	[smem:$0x3FAD] =	sst s0  }
0x9: {  	[smem:$0x3FAE] =	sst s1  }
0xa: {  	[smem:$0x3FAF] =	sst s2  }
0xb: {  	[smem:$0x3FB0] =	sst s3  }
0xc: {  	[smem:$0x3FB1] =	sst s4  }
0xd: {  	[smem:$0x3FB2] =	sst s5  }
0xe: {  	[smem:$0x3FB3] =	sst s6  }
0xf: {  	[smem:$0x3FB4] =	sst s7  }
0x10: {  	[smem:$0x3FB5] =	sst s8  }
0x11: {  	[smem:$0x3FB6] =	sst s9;
	s0 =	simm.s32 @!p0 $0x0  }
0x12: {  	s1 =	sld [smem:$0x3F9C];
	s0 =	simm.s32 @p0 $0x1  }
0x13: {  	[smem:$0x3FB7] =	sst s0;
	s0 =	simm.s32 @!p1 $0x0  }
0x14: {  	s2 =	sld [smem:$0x3F9B];
	s0 =	simm.s32 @p1 $0x1  }
0x15: {  	[smem:$0x3FB8] =	sst s0;
	s0 =	simm.s32 @!p2 $0x0  }
0x16: {  	s3 =	sld [smem:$0x3FDB];
	s0 =	simm.s32 @p2 $0x1  }
0x17: {  	s4 =	simm.s32 $0x1BF5;
	[smem:$0x3FBA] =	sst s0  }
0x18: {  	s0 =	sld [smem:$0x3F9D];
	_ =	swait.ge [sflag:s4], $0x0  }
0x19: {  	s7 =	sld [smem:$0x3F9E]  }
0x1a: {  	s8 =	sadd.s32 $0xFFFFE003, lr  }
0x1b: {  	s9 =	sadd.s32 $0xFFFFFEF7, lr;
	s5 =	simm.s32 $0xFFFFFFFF;
	p2 =	slt.u32 s8, $0xFFFFF086  }
0x1c: {  	p1 =	slt.u32 s9, $0xF7A;
	s5 =	simm.s32 @!p2 $0x0  }
0x1d: {  	s5 =	simm.s32 @p1 $0x1;
	p0 =	seq.s32 s7, s2  }
0x1e: {  	s7 =	smul.u32 @!p0 $0xF7A, s2;
	p2 =	seq.s32 @!p0 s5, $0x0  }
0x1f: {  	s9 =	smul.u32 $0xF7A, s1;
	s8 =	simm.s32 @!p0 $0x1BF5;
	p2 =	por !p2, p0  }
0x20: {  	[sflag:s8] =	ssyncset.s32 @!p0 $0xFFFFF086;
	s6 =	sadd.s32 @!p0 s3, s7;
	s7 =	simm.s32 @!p0 $0x108  }
0x21: {  	s3 =	sadd.s32 s3, s9;
	s6 =	sadd.s32 @!p0 $0x88, s6;
	s7 =	simm.s32 @p2 $0x1082  }
0x22: {  	[simem:s7], [sflag:s8] =	dma.local @!p0 [hbm:s6], $0xF7A  }
0x23: {  	s9 =	sor.u32 $0xD0000000, s2;
	s6 =	simm.s32 $0x108;
	_ =	swait.ge @!p0 [sflag:s8], $0x0  }
0x24: {  	s3 =	sadd.s32 $0x88, s3;
	s6 =	simm.s32 @!p1 $0x1082;
	[sflag:s4] =	ssyncset.s32 $0xFFFFF086  }
0x25: {  	[simem:s6], [sflag:s4] =	dma.local [hbm:s3], $0xF7A  }
0x26: {  	[smem:$0x3F9E] =	sst s1;
	(tag) =	ssettag s2;
	_ =	strace s9  }
0x27: {  	s1 =	sld [smem:$0x3FAE]  }
0x28: {  	s2 =	sld [smem:$0x3FAF]  }
0x29: {  	s4 =	sld [smem:$0x3FB1]  }
0x2a: {  	p0 =	seq.s32 s5, $0x0;
	s5 =	sld [smem:$0x3FB2]  }
0x2b: {  	s6 =	sld [smem:$0x3FB3]  }
0x2c: {  	s7 =	sld [smem:$0x3FB4]  }
0x2d: {  	s3 =	simm.s32 $0x108;
	s8 =	sld [smem:$0x3FB5]  }
0x2e: {  	s3 =	simm.s32 @!p0 $0x1082;
	s9 =	sld [smem:$0x3FB6]  }
0x2f: {  	lr =	sadd.s32 s0, s3;
	s0 =	sld [smem:$0x3FAD]  }
0x30: {  	s3 =	sld [smem:$0x3FB0]  }
0x31: {  	[smem:$0x3FB9] =	sst s10  }
0x32: {  	s10 =	sld [smem:$0x3FB7];
	_ =	sdelay $0x3  }
0x33: {  	p0 =	seq.s32 s10, $0x1;
	s10 =	sld [smem:$0x3FB9];
	_ =	sdelay $0x3  }
0x34: {  	[smem:$0x3FB9] =	sst s10  }
0x35: {  	s10 =	sld [smem:$0x3FB8];
	_ =	sdelay $0x3  }
0x36: {  	p1 =	seq.s32 s10, $0x1;
	s10 =	sld [smem:$0x3FB9];
	_ =	sdelay $0x3  }
0x37: {  	[smem:$0x3FB9] =	sst s10  }
0x38: {  	s10 =	sld [smem:$0x3FBA]  }
0x39: {  	_ = 	snop;
	(pc) =	sbr.ind lr, $3  }
0x3a: {  	_ = 	snop  }
0x3b: {  	_ = 	snop  }
0x3c: {  	p2 =	seq.s32 s10, $0x1;
	s10 =	sld [smem:$0x3FB9]  }
0x3d: {  	_ =	shalt  }
0x3e: {  	_ =	shalt  }
0x3f: {  	_ =	shalt  }
0x40: {  	_ =	shalt  }
0x41: {  	_ =	shalt  }
0x42: {  	_ =	shalt  }
0x43: {  	_ =	shalt  }
0x44: {  	_ =	shalt  }
0x45: {  	_ =	shalt  }
0x46: {  	_ =	shalt  }
0x47: {  	_ =	shalt  }
0x48: {  	_ =	shalt  }
0x49: {  	_ =	shalt  }
0x4a: {  	_ =	shalt  }
0x4b: {  	_ =	shalt  }
0x4c: {  	_ =	shalt  }
0x4d: {  	_ =	shalt  }
0x4e: {  	_ =	shalt  }
0x4f: {  	_ =	shalt  }
0x50: {  	_ =	shalt  }
0x51: {  	_ =	shalt  }
0x52: {  	_ =	shalt  }
0x53: {  	_ =	shalt  }
0x54: {  	_ =	shalt  }
0x55: {  	_ =	shalt  }
0x56: {  	_ =	shalt  }
0x57: {  	_ =	shalt  }
0x58: {  	_ =	shalt  }
0x59: {  	_ =	shalt  }
0x5a: {  	_ =	shalt  }
0x5b: {  	_ =	shalt  }
0x5c: {  	_ =	shalt  }
0x5d: {  	_ =	shalt  }
0x5e: {  	_ =	shalt  }
0x5f: {  	_ =	shalt  }
0x60: {  	_ =	shalt  }
0x61: {  	_ =	shalt  }
0x62: {  	_ =	shalt  }
0x63: {  	_ =	shalt  }
0x64: {  	_ =	shalt  }
0x65: {  	_ =	shalt  }
0x66: {  	_ =	shalt  }
0x67: {  	_ =	shalt  }
0x68: {  	_ =	shalt  }
0x69: {  	_ =	shalt  }
0x6a: {  	_ =	shalt  }
0x6b: {  	_ =	shalt  }
0x6c: {  	_ =	shalt  }
0x6d: {  	_ =	shalt  }
0x6e: {  	_ =	shalt  }
0x6f: {  	_ =	shalt  }
0x70: {  	_ =	shalt  }
0x71: {  	_ =	shalt  }
0x72: {  	_ =	shalt  }
0x73: {  	_ =	shalt  }
0x74: {  	_ =	shalt  }
0x75: {  	_ =	shalt  }
0x76: {  	_ =	shalt  }
0x77: {  	_ =	shalt  }
0x78: {  	_ =	shalt  }
0x79: {  	_ =	shalt  }
0x7a: {  	_ =	shalt  }
0x7b: {  	_ =	shalt  }
0x7c: {  	_ =	shalt  }
0x7d: {  	_ =	shalt  }
0x7e: {  	_ =	shalt  }
0x7f: {  	_ =	shalt  }
0x80: {  	_ =	shalt  }
0x81: {  	_ =	shalt  }
0x82: {  	_ =	shalt  }
0x83: {  	_ =	shalt  }
0x84: {  	_ =	shalt  }
0x85: {  	_ =	shalt  }
0x86: {  	_ =	shalt  }
0x87: {  	_ =	shalt  }
.Lfunc_end0:
.L_simem_size_0:
called_computation_lowered:
.L_overlay_start_0:
0x88: {  	s2 =	sld [smem:$0x3FD9]  }
0x89: {  	s3 =	sld [smem:$0x3FFE];
	_ =	sdelay $0x1  }
0x8a: {  	s1 =	srdreg.scid  }
0x8b: {  	s0 =	sand.u32 $0x1, s1  }
0x8c: {  	s17 =	sshll.u32 s0, $0xA;
	s2 =	sadd.s32 s3, s2  }
0x8d: {  	s2 =	sadd.s32 s2, s17  }
0x8e: {  	[smem:$0x3FC5] =	sst s2  }
0x8f: {  	_ = 	snop  }
0x90: {  	s2 =	sld [smem:$0x3FC8]  }
0x91: {  	s18 =	sld [smem:$0x3FD0];
	(tm) =	ssettm $0x1  }
0x92: {  	s4 =	sld [smem:$0x3FFB];
	_ =	sdelay $0x3  }
0x93: {  	_ =	strace s4  }
0x94: {  	s4 =	sld [smem:$0x3FFC];
	_ =	sdelay $0x3  }
0x95: {  	_ =	strace s4  }
0x96: {  	s4 =	sld [smem:$0x3FFD];
	_ =	sdelay $0x3  }
0x97: {  	_ =	strace s4  }
0x98: {  	_ =	strace $0x8FFFFFFF  }
0x99: {  	s19 =	sld [smem:$0x3FDB];
	_ =	sdelay $0x1  }
0x9a: {  	s5 =	simm.s32 $_scs_section_size  }
0x9b: {  	s6 =	simm.s32 $_size__tile_overlayer_lowered;
	s7 =	simm.s32 $_tile_overlayer_lowered  }
0x9c: {  	s22 =	simm.s32 $0x1BFF;
	s21 =	sshll.u32 s7, $0x1;
	s4 =	sadd.s32 s5, s19  }
0x9d: {  	s8 =	simm.s32 $0x0;
	s20 =	sshll.u32 s6, $0x1;
	s6 =	sadd.s32 s21, s4  }
0x9e: {  	[timem:s8], [sflag:s22] =	dma.local [hbm:s6], s20  }
0x9f: {  	_ =	swait.ge [sflag:s22], s20  }
0xa0: {  	s5 =	ssub.s32 $0x0, s20;
	[sflag:s22] =	ssyncset.done $0x0  }
0xa1: {  	[sflag:s22] =	ssyncadd.s32 s5;
	_ =	sdelay $0x1  }
0xa2: {  	s23 =	simm.s32 $0x1B8B  }
0xa3: {  	_ =	swait.ge [sflag:s23], $0x1  }
0xa4: {  	[sflag:s23] =	ssyncset.done $0x0  }
0xa5: {  	s25 =	simm.s32 $0x1B8E;
	s24 =	sld [smem:$0x3FFE];
	[sflag:s23] =	ssyncadd.s32 $0xFFFFFFFF  }
0xa6: {  	s26 =	simm.s32 $execute0_lowered;
	[smem:$0x3FD2] =	sst s25  }
0xa7: {  	s6 =	sshll.u32 s26, $0x1;
	_ =	strace $0x80000046;
	[dreg:$0x1] =	wrdreg $0xFFFFFFFF  }
0xa8: {  	s28 =	simm.s32 $_size_execute0_lowered;
	s4 =	sadd.s32 s4, s6;
	[dreg:$0x0] =	wrdreg $0x0  }
0xa9: {  	s6 =	sshll.u32 s28, $0x1;
	[dreg:$0x2] =	wrdreg s4  }
0xaa: {  	[dreg:$0x3] =	wrdreg s6  }
0xab: {  	[dreg:$0x4] =	wrdreg $0xC0  }
0xac: {  	_ =	task [dreg:s8], $0x5FFFF  }
0xad: {  	[dreg:$0x1] =	wrdreg $0xFFFFFFFF  }
0xae: {  	[dreg:$0x0] =	wrdreg $0x60  }
0xaf: {  	[dreg:$0x2] =	wrdreg s24  }
0xb0: {  	[dreg:$0x3] =	wrdreg s2  }
0xb1: {  	[dreg:$0x4] =	wrdreg s18  }
0xb2: {  	[dreg:$0x5] =	wrdreg $0x9  }
0xb3: {  	_ =	task.clear_ibuf [dreg:s8], $0x6FFFF;
	_ =	strace $0x90000046  }
0xb4: {  	s29 =	simm.s32 $0x9;
	_ =	strace $0x80000048  }
0xb5: {  	_ =	swait.ge [sflag:s29], $0x1  }
0xb6: {  	[sflag:s29] =	ssyncadd.s32 $0xFFFFFFFF  }
0xb7: {  	_ =	strace $0x90000048  }
0xb8: {  	_ =	sfence  }
0xb9: {  	s30 =	sld [smem:$0x0];
	_ =	sdelay $0x2  }
0xba: {  	s31 =	sshll.u32 s1, $0xD;
	s1 =	sshrl.u32 s1, $0x2  }
0xbb: {  	s3 =	sand.u32 $0x4000, s31;
	s1 =	sadd.s32 s1, s30  }
0xbc: {  	s0 =	sor.u32 s3, s0;
	s1 =	sshll.u32 s1, $0x11  }
0xbd: {  	s0 =	sor.u32 s1, s0  }
0xbe: {  	s0 =	sadd.s32 $0x8F2B, s0  }
0xbf: {  	[sflag:s0] =	ssyncadd.remote.s32 $0x1  }
0xc0: {  	_ =	sfence.sel $0xFFFF  }
0xc1: {  	[dreg:$0x0] =	wrdreg $0xFFFFFFFF;
	(pc) =	sbr.abs _section_cstart, $3  }
0xc2: {  	[dreg:$0x1] =	wrdreg $0xFFFFFFFF  }
0xc3: {  	_ =	task.clear_ibuf [dreg:s8], $0x2FFFF;
	_ =	strace $0x9FFFFFFF  }
0xc4: {  	(tm) =	ssettm $0x7FFFFFFF  }
0xc5: {  	_ =	shalt  }
tec
execute0_lowered:
.L_overlay_start_1:
0x0: {  	(tag) =	ssettag $0x1  }
0x1: {  	s0 =	rddreg [dreg:$0x0]  }
0x2: {  	s2 =	rddreg [dreg:$0x1]  }
0x3: {  	s1 =	srdreg.scid;
	s14 =	stileid.u32  }
0x4: {  	s3 =	rddreg [dreg:$0x2];
	s6 =	simm.s32 $0x0;
	s1 =	sand.u32 $0x1, s1  }
0x5: {  	s4 =	sshll.u32 s14, $0x1;
	[smem:$0x7FF] =	sst s6;
	s7 =	sadd.s32 $0x600, s0  }
0x6: {  	s15 =	sadd.s32 $0xA00, s0;
	p0 =	slt.u32 s14, $0x8;
	s5 =	sor.u32 s1, s4  }
0x7: {  	p1 =	sgt.u32 s14, $0x7;
	s14 =	sadd.s32 $0x100, s2;
	s4 =	smul.u32 $0xF00, s5  }
0x8: {  	_ =	strace $0x80000047;
	s1 =	ssub.s32 $0x2, s1;
	s8 =	smul.u32 $0x98, s5  }
0x9: {  	[dreg:$0x4] =	wrdreg s7;
	s9 =	smul.u32 $0x58, s5;
	s7 =	sshrl.u32 s1, $0x1  }
0xa: {  	s6 =	smul.u32 $0x3E8, s5;
	s7 =	ssub.s32 s1, s7;
	s1 =	simm.s32 $0x58  }
0xb: {  	s8 =	sadd.s32 $0xFFFFFC00, s8;
	s0 =	sadd.s32 s4, s0;
	s1 =	simm.s32 @!p0 $0x98  }
0xc: {  	s12 =	sadd.s32 $0x3E8, s6;
	s16 =	sshrl.u32 s6, $0x3;
	s22 =	sadd.s32 $0x578, s6  }
0xd: {  	s23 =	sadd.s32 $0x5C8, s6;
	s24 =	sadd.s32 $0x618, s6;
	s25 =	sadd.s32 $0x668, s6  }
0xe: {  	s26 =	sadd.s32 $0x6B8, s6;
	s8 =	smov.u32 @p0 s9;
	s0 =	sadd.s32 $0xF600, s0  }
0xf: {  	s13 =	sshrl.u32 s12, $0x3;
	s12 =	sadd.s32 $0x4D8, s6;
	p0 =	sne.s32 s5, $0x0  }
0x10: {  	s10 =	sshll.u32 s8, $0x7;
	s9 =	ssub.s32 $0xEE6, s8;
	[dreg:$0x6] =	wrdreg s0  }
0x11: {  	s0 =	smul.u32 $0x300, s13;
	s12 =	sshrl.u32 s12, $0x3;
	s13 =	sadd.s32 $0x528, s6  }
0x12: {  	s4 =	sadd.s32 $0xFFFFE000, s10;
	s9 =	smin.u32 s1, s9;
	s10 =	sadd.s32 $0x438, s6  }
0x13: {  	s17 =	smul.u32 $0x300, s12;
	s18 =	sshrl.u32 s13, $0x3;
	s12 =	sshrl.u32 s26, $0x3  }
0x14: {  	s11 =	sshrl.u32 s4, $0x3;
	s4 =	smul.u32 $0x300, s16;
	s10 =	sshrl.u32 s10, $0x3  }
0x15: {  	s0 =	sadd.s32 s3, s0;
	s20 =	smul.u32 $0x300, s18;
	s16 =	sadd.s32 $0x708, s6  }
0x16: {  	s1 =	sadd.s32 s15, s11;
	s11 =	sadd.s32 $0x488, s6;
	s10 =	smul.u32 $0x300, s10  }
0x17: {  	[dreg:$0x7] =	wrdreg s0;
	s0 =	sadd.s32 s3, s17;
	s17 =	sadd.s32 $0x758, s6  }
0x18: {  	s6 =	sadd.s32 $0x7A8, s6;
	s11 =	sshrl.u32 s11, $0x3;
	s13 =	sadd.s32 s3, s4  }
0x19: {  	[dreg:$0xa] =	wrdreg s0;
	s4 =	sadd.s32 s3, s20;
	s0 =	sshrl.u32 s22, $0x3  }
0x1a: {  	s15 =	smov.u32 @p0 s1;
	s1 =	sshrl.u32 s17, $0x3;
	s20 =	sshrl.u32 s6, $0x3  }
0x1b: {  	s17 =	simm.s32 $0x0;
	s11 =	smul.u32 $0x300, s11;
	s19 =	sadd.s32 s3, s10  }
0x1c: {  	[dreg:$0xb] =	wrdreg s4;
	s0 =	smul.u32 $0x300, s0;
	s4 =	sshrl.u32 s23, $0x3  }
0x1d: {  	s10 =	sshrl.u32 s24, $0x3;
	[dreg:$0x5] =	wrdreg s15;
	s1 =	smul.u32 $0x300, s1  }
0x1e: {  	s22 =	sadd.s32 $0x18600, s13;
	s23 =	sadd.s32 $0x1A400, s13;
	s24 =	sadd.s32 $0x1C200, s13  }
0x1f: {  	s26 =	sadd.s32 $0x1FE00, s13;
	s29 =	sadd.s32 $0x21C00, s13;
	[dreg:$0x8] =	wrdreg s19  }
0x20: {  	s30 =	sadd.s32 $0x23A00, s13;
	s31 =	sadd.s32 $0x25800, s13;
	[dreg:$0x13] =	wrdreg s22  }
0x21: {  	s6 =	sadd.s32 $0x2D000, s13;
	s4 =	smul.u32 $0x300, s4;
	[dreg:$0x14] =	wrdreg s23  }
0x22: {  	s15 =	sadd.s32 $0x200, s2;
	s10 =	smul.u32 $0x300, s10;
	[dreg:$0x15] =	wrdreg s24  }
0x23: {  	[dreg:$0x17] =	wrdreg s26;
	s21 =	sadd.s32 s3, s11;
	s11 =	sshrl.u32 s25, $0x3  }
0x24: {  	s0 =	sadd.s32 s3, s0;
	s1 =	sadd.s32 s3, s1;
	[dreg:$0x9] =	wrdreg s21  }
0x25: {  	s25 =	sadd.s32 $0x1E000, s13;
	[dreg:$0xc] =	wrdreg s0;
	s28 =	smul.u32 $0x300, s11  }
0x26: {  	s11 =	smul.u32 $0x300, s12;
	s12 =	sshrl.u32 s16, $0x3;
	[dreg:$0x12] =	wrdreg s1  }
0x27: {  	s16 =	simm.s32 @!p0 $0x0;
	s4 =	sadd.s32 s3, s4;
	[dreg:$0x16] =	wrdreg s25  }
0x28: {  	s10 =	sadd.s32 s3, s10;
	s21 =	smul.u32 $0x300, s20;
	[dreg:$0xd] =	wrdreg s4  }
0x29: {  	s1 =	sadd.s32 $0x27600, s13;
	s16 =	simm.s32 @p0 $0x1;
	[dreg:$0xe] =	wrdreg s10  }
0x2a: {  	s18 =	smul.u32 $0x300, s12;
	s12 =	simm.s32 @!p1 $0x0;
	[smem:$0x7FC] =	sst s16  }
0x2b: {  	s0 =	sadd.s32 s3, s28;
	s19 =	sadd.s32 s3, s11;
	s10 =	sadd.s32 s3, s21  }
.Ltmp0:
0x2c: {  	s11 =	smax.u32 s7, $0x1;
	s28 =	sshll.u32 s8, $0x4;
	(pc) =	sbr.rel .LBB2_1-.Ltmp0, $4  }
0x2d: {  	s16 =	simm.s32 $0xC;
	s7 =	simm.s32 $0xB;
	[dreg:$0xf] =	wrdreg s0  }
0x2e: {  	s12 =	simm.s32 @p1 $0x1;
	[dreg:$0x10] =	wrdreg s19;
	s4 =	sadd.s32 s3, s18  }
0x2f: {  	s0 =	sadd.s32 $0x29400, s13;
	s25 =	sadd.s32 $0x3E38, s28;
	[smem:$0x7FD] =	sst s12  }
0x30: {  	[dreg:$0x11] =	wrdreg s4;
	s4 =	sadd.s32 $0x2B200, s13;
	s13 =	sadd.s32 $0x17400, s3  }
.LBB2_5:
0x31: {  	s17 =	sadd.s32 $0x1, s17  }
0x32: {  	p0 =	sne.s32 s17, s11  }
.Ltmp1:
0x33: {  	_ = 	snop;
	(pc) =	sbr.rel @!p0 .LBB2_6-.Ltmp1, $1  }
0x34: {  	_ =	sdelay $0x3  }
.LBB2_1:
0x35: {  	s12 =	sld [smem:$0x7FC];
	_ =	sdelay $0x2  }
0x36: {  	p0 =	seq.s32 s12, $0x1  }
0x37: {  	s18 =	rddreg [dreg:$0x4];
	s12 =	simm.s32 @!p0 $0x0  }
0x38: {  	[tilespmem:s12], [sflag:$0xC] =	stream.linear.gather @!p0 [hbm4b:s18+s12], $0x2000, $0x38;
	[tilespmem:$0x1D400] =	vst v63  }
0x39: {  	s12 =	simm.s32 @!p0 $0xC  }
0x3a: {  	_ =	swait.ge @!p0 [sflag:s12], $0x2000  }
0x3b: {  	s26 =	simm.s32 $0x0;
	[sflag:s12] =	ssyncset.done @!p0 $0x0  }
0x3c: {  	s19 =	simm.s32 $0x2000;
	s28 =	rddreg [dreg:$0x5];
	[sflag:s12] =	ssyncadd.s32 @!p0 $0xFFFFE000  }
0x3d: {  	[tilespmem:s19], [sflag:$0xC] =	stream.linear.gather [hbm4b:s28+s26], $0x4C00, $0x38;
	[tilespmem:$0x1D400] =	vst v63  }
0x3e: {  	_ =	swait.ge [sflag:s16], $0x4C00  }
0x3f: {  	s20 =	simm.s32 @!p1 $0xC;
	s18 =	simm.s32 @!p1 $0x6C00;
	[sflag:s16] =	ssyncset.done $0x0  }
0x40: {  	s12 =	simm.s32 @!p1 $0x0;
	s19 =	rddreg [dreg:$0x6];
	[sflag:s16] =	ssyncadd.s32 $0xFFFFB400  }
0x41: {  	[tilespmem:s18], [sflag:$0xC] =	stream.linear.gather @!p1 [hbm4b:s19+s12], $0x7800, $0x38;
	[tilespmem:$0x1D400] =	vst v63  }
0x42: {  	_ =	swait.ge @!p1 [sflag:s20], $0x7800  }
0x43: {  	[sflag:s20] =	ssyncset.done @!p1 $0x0  }
0x44: {  	s19 =	rddreg [dreg:$0x7];
	[sflag:s20] =	ssyncadd.s32 @!p1 $0xFFFF8800  }
0x45: {  	[hbm4b:s19+s12] =	stream.linear.scatter @!p1 [tilespmem:s18], [sflag:$0xB], $0x7800, $0x38;
	[tilespmem:$0x1D400] =	vst v63  }
0x46: {  	s19 =	rddreg [dreg:$0x13]  }
0x47: {  	[hbm4b:s19+s12] =	stream.linear.scatter @!p1 [tilespmem:s18], [sflag:$0xB], $0x7800, $0x38;
	[tilespmem:$0x1D400] =	vst v63  }
0x48: {  	s19 =	rddreg [dreg:$0x8]  }
0x49: {  	[hbm4b:s19+s12] =	stream.linear.scatter @!p1 [tilespmem:s18], [sflag:$0xB], $0x7800, $0x38;
	[tilespmem:$0x1D400] =	vst v63  }
0x4a: {  	s19 =	rddreg [dreg:$0x14]  }
0x4b: {  	[hbm4b:s19+s12] =	stream.linear.scatter @!p1 [tilespmem:s18], [sflag:$0xB], $0x7800, $0x38;
	[tilespmem:$0x1D400] =	vst v63  }
0x4c: {  	s19 =	rddreg [dreg:$0x9]  }
0x4d: {  	[hbm4b:s19+s12] =	stream.linear.scatter @!p1 [tilespmem:s18], [sflag:$0xB], $0x7800, $0x38;
	[tilespmem:$0x1D400] =	vst v63  }
0x4e: {  	s19 =	rddreg [dreg:$0x15]  }
0x4f: {  	[hbm4b:s19+s12] =	stream.linear.scatter @!p1 [tilespmem:s18], [sflag:$0xB], $0x7800, $0x38;
	[tilespmem:$0x1D400] =	vst v63  }
0x50: {  	s19 =	rddreg [dreg:$0xa]  }
0x51: {  	[hbm4b:s19+s12] =	stream.linear.scatter @!p1 [tilespmem:s18], [sflag:$0xB], $0x7800, $0x38;
	[tilespmem:$0x1D400] =	vst v63  }
0x52: {  	s19 =	rddreg [dreg:$0x16]  }
0x53: {  	[hbm4b:s19+s12] =	stream.linear.scatter @!p1 [tilespmem:s18], [sflag:$0xB], $0x7800, $0x38;
	[tilespmem:$0x1D400] =	vst v63  }
0x54: {  	s19 =	rddreg [dreg:$0xb]  }
0x55: {  	[hbm4b:s19+s12] =	stream.linear.scatter @!p1 [tilespmem:s18], [sflag:$0xB], $0x7800, $0x38;
	[tilespmem:$0x1D400] =	vst v63  }
0x56: {  	s19 =	rddreg [dreg:$0x17]  }
0x57: {  	[hbm4b:s19+s12] =	stream.linear.scatter @!p1 [tilespmem:s18], [sflag:$0xB], $0x7800, $0x38;
	[tilespmem:$0x1D400] =	vst v63  }
0x58: {  	s19 =	rddreg [dreg:$0xc]  }
0x59: {  	[hbm4b:s19+s12] =	stream.linear.scatter @!p1 [tilespmem:s18], [sflag:$0xB], $0x7800, $0x38;
	[tilespmem:$0x1D400] =	vst v63  }
0x5a: {  	_ = 	snop  }
0x5b: {  	[hbm4b:s29+s12] =	stream.linear.scatter @!p1 [tilespmem:s18], [sflag:$0xB], $0x7800, $0x38;
	[tilespmem:$0x1D400] =	vst v63  }
0x5c: {  	s19 =	rddreg [dreg:$0xd]  }
0x5d: {  	[hbm4b:s19+s12] =	stream.linear.scatter @!p1 [tilespmem:s18], [sflag:$0xB], $0x7800, $0x38;
	[tilespmem:$0x1D400] =	vst v63  }
0x5e: {  	_ = 	snop  }
0x5f: {  	[hbm4b:s30+s12] =	stream.linear.scatter @!p1 [tilespmem:s18], [sflag:$0xB], $0x7800, $0x38;
	[tilespmem:$0x1D400] =	vst v63  }
0x60: {  	s19 =	rddreg [dreg:$0xe]  }
0x61: {  	[hbm4b:s19+s12] =	stream.linear.scatter @!p1 [tilespmem:s18], [sflag:$0xB], $0x7800, $0x38;
	[tilespmem:$0x1D400] =	vst v63  }
0x62: {  	_ = 	snop  }
0x63: {  	[hbm4b:s31+s12] =	stream.linear.scatter @!p1 [tilespmem:s18], [sflag:$0xB], $0x7800, $0x38;
	[tilespmem:$0x1D400] =	vst v63  }
0x64: {  	s19 =	rddreg [dreg:$0xf]  }
0x65: {  	[hbm4b:s19+s12] =	stream.linear.scatter @!p1 [tilespmem:s18], [sflag:$0xB], $0x7800, $0x38;
	[tilespmem:$0x1D400] =	vst v63  }
0x66: {  	_ = 	snop  }
0x67: {  	[hbm4b:s1+s12] =	stream.linear.scatter @!p1 [tilespmem:s18], [sflag:$0xB], $0x7800, $0x38;
	[tilespmem:$0x1D400] =	vst v63  }
0x68: {  	s19 =	rddreg [dreg:$0x10]  }
0x69: {  	[hbm4b:s19+s12] =	stream.linear.scatter @!p1 [tilespmem:s18], [sflag:$0xB], $0x7800, $0x38;
	[tilespmem:$0x1D400] =	vst v63  }
0x6a: {  	_ = 	snop  }
0x6b: {  	[hbm4b:s0+s12] =	stream.linear.scatter @!p1 [tilespmem:s18], [sflag:$0xB], $0x7800, $0x38;
	[tilespmem:$0x1D400] =	vst v63  }
0x6c: {  	s19 =	rddreg [dreg:$0x11]  }
0x6d: {  	[hbm4b:s19+s12] =	stream.linear.scatter @!p1 [tilespmem:s18], [sflag:$0xB], $0x7800, $0x38;
	[tilespmem:$0x1D400] =	vst v63  }
0x6e: {  	_ = 	snop  }
0x6f: {  	[hbm4b:s4+s12] =	stream.linear.scatter @!p1 [tilespmem:s18], [sflag:$0xB], $0x7800, $0x38;
	[tilespmem:$0x1D400] =	vst v63  }
0x70: {  	s19 =	rddreg [dreg:$0x12]  }
0x71: {  	[hbm4b:s19+s12] =	stream.linear.scatter @!p1 [tilespmem:s18], [sflag:$0xB], $0x7800, $0x38;
	[tilespmem:$0x1D400] =	vst v63  }
0x72: {  	_ = 	snop  }
0x73: {  	[hbm4b:s6+s12] =	stream.linear.scatter @!p1 [tilespmem:s18], [sflag:$0xB], $0x7800, $0x38;
	[tilespmem:$0x1D400] =	vst v63  }
0x74: {  	s21 =	simm.s32 $0x0  }
0x75: {  	[hbm4b:s10+s12] =	stream.linear.scatter @!p1 [tilespmem:s18], [sflag:$0xB], $0x7800, $0x38;
	[tilespmem:$0x1D400] =	vst v63  }
0x76: {  	s20 =	simm.s32 $0x0;
	s19 =	smov.u32 s25;
	s18 =	simm.s32 $0xFFFFE000  }
.LBB2_2:
0x77: {  	p1 =	seq.s32 s21, $0x0;
	s23 =	sadd.s32 $0xFFFFFFFB, s21  }
0x78: {  	s22 =	sadd.s32 s21, s8;
	p2 =	sge.s32 @!p1 s23, s9  }
0x79: {  	s23 =	sadd.s32 $0xFFFFFFBC, s22;
	p3 =	por p2, p1  }
0x7a: {  	p5 =	seq.s32 @!p3 s23, $0x0  }
0x7b: {  	p0 =	por @!p1 p5, p2  }
0x7c: {  	p0 =	por p0, p1  }
0x7d: {  	p4 =	sne.s32 s21, $0x0;
	s23 =	sadd.s32 @!p0 s21, s8  }
0x7e: {  	s12 =	simm.s32 @!p4 $0x0;
	p6 =	sne.s32 @!p0 s23, $0x43;
	p0 =	sne.s32 s22, $0x42  }
0x7f: {  	s12 =	simm.s32 @p4 $0x1;
	p0 =	por !p0, !p4;
	p4 =	por @!p3 !p6, p5  }
0x80: {  	p4 =	por @!p1 p4, p2  }
0x81: {  	[smem:$0x7EF] =	sst s12;
	s12 =	simm.s32 @!p4 $0x0  }
0x82: {  	s12 =	simm.s32 @p4 $0x1  }
0x83: {  	[smem:$0x7EC] =	sst s12  }
0x84: {  	s12 =	sld [smem:$0x7EC]  }
0x85: {  	s26 =	sadd.s32 $0xFFFFFFFD, s21  }
0x86: {  	p0 =	por !p0, !p0;
	p4 =	slt.s32 s26, s9  }
0x87: {  	p0 =	por !p0, !p4;
	p4 =	seq.s32 s12, $0x1  }
0x88: {  	p3 =	por @!p3 p6, p5;
	p0 =	por !p0, !p0;
	p4 =	por p4, p1  }
0x89: {  	p3 =	por @!p1 p3, p2;
	s24 =	sadd.s32 @p0 s21, s8;
	s23 =	simm.s32 @!p4 $0x6  }
0x8a: {  	p3 =	por p3, p1;
	p2 =	sne.s32 @p0 s24, $0x41;
	_ =	swait.ge @!p4 [sflag:s23], $0x3000  }
0x8b: {  	s24 =	sadd.s32 @p0 $0xFFFFFFFD, s24;
	p5 =	por !p2, !p0;
	[sflag:s23] =	ssyncset.done @!p4 $0x0  }
0x8c: {  	[sflag:s23] =	ssyncadd.s32 @!p4 $0xFFFFD000;
	s23 =	simm.s32 @!p3 $0x6;
	p4 =	slt.s32 @!p5 s24, $0x3E  }
0x8d: {  	s12 =	smov.u32 s19;
	_ =	swait.ge @!p3 [sflag:s23], $0x1800;
	p4 =	por @p0 !p4, !p2  }
0x8e: {  	s24 =	sadd.s32 @!p5 $0xFFFFC198, s19;
	[sflag:s23] =	ssyncset.done @!p3 $0x0;
	p4 =	por !p4, !p0  }
0x8f: {  	[sflag:s23] =	ssyncadd.s32 @!p3 $0xFFFFE800;
	s23 =	simm.s32 @p0 $0x3;
	s12 =	smov.u32 @p4 s24  }
0x90: {  	s24 =	simm.s32 @!p5 $0x0;
	_ =	swait.ge @p0 [sflag:s23], $0x3000;
	s12 =	sshrl.u32 @!p5 s12, $0x3  }
0x91: {  	s24 =	simm.s32 @p5 $0x1;
	[sflag:s23] =	ssyncset.done @p0 $0x0;
	s12 =	smul.u32 @!p5 $0x300, s12  }
0x92: {  	[smem:$0x7F0] =	sst s24;
	s24 =	simm.s32 @!p5 $0x14400;
	[sflag:s23] =	ssyncadd.s32 @p0 $0xFFFFD000  }
0x93: {  	s23 =	simm.s32 @!p5 $0x0;
	p0 =	por p2, !p0;
	s12 =	sadd.s32 @!p5 s3, s12  }
0x94: {  	[hbm4b:s12+s23] =	stream.linear.scatter @!p5 [tilespmem:s24], [sflag:$0x8], $0x3000, $0x38;
	[tilespmem:$0x1D400] =	vst v63  }
0x95: {  	s12 =	simm.s32 @!p0 $0x0  }
0x96: {  	p6 =	sne.s32 s22, $0x3F;
	s23 =	simm.s32 @!p0 $0x14400;
	s12 =	simm.s32 @p0 $0x1  }
0x97: {  	p5 =	slt.u32 s21, s9;
	[smem:$0x7F1] =	sst s12;
	s12 =	simm.s32 @!p0 $0x0  }
0x98: {  	[hbm4b:s13+s12] =	stream.linear.scatter @!p0 [tilespmem:s23], [sflag:$0x8], $0x1800, $0x38;
	[tilespmem:$0x1D400] =	vst v63  }
0x99: {  	p0 =	por !p5, !p6  }
0x9a: {  	p2 =	por !p0, !p0  }
0x9b: {  	s12 =	simm.s32 @!p2 $0x0  }
0x9c: {  	p0 =	sne.s32 @p2 s5, $0x0;
	s12 =	simm.s32 @p2 $0x1  }
0x9d: {  	p0 =	por !p0, !p2;
	[smem:$0x7F8] =	sst s12;
	s12 =	sadd.s32 @p2 $0x2000, s18  }
0x9e: {  	p3 =	slt.s32 @p2 s22, $0x40;
	s12 =	smov.u32 @p0 s18  }
0x9f: {  	s23 =	smov.u32 s20;
	p0 =	por !p3, !p2;
	s12 =	sadd.s32 @p2 $0x2000, s12  }
0xa0: {  	s23 =	smov.u32 @p0 s12  }
0xa1: {  	v0 =	vld @p2 [tilespmem:s23+$0x0];
	_ =	sdelay $0x4  }
0xa2: {  	v1 =	vshrl.u32 @p2 v0, $0x3  }
0xa3: {  	v1 =	vmul.u32 @p2 $0x30, v1  }
0xa4: {  	v2 =	vlaneseq.u32 @p2;
	v0 =	vand.u32 @p2 $0x7, v0  }
0xa5: {  	v3 =	vshrl.u32 @p2 v2, $0x3;
	v0 =	vor.u32 @p2 v0, v1;
	v1 =	vand.u32 @p2 $0x7, v2  }
0xa6: {  	v3 =	vmul.u32 @p2 $0x8, v3;
	v1 =	vperm.xlane @p2 v0, v1;
	_ =	sdelay $0x1  }
0xa7: {  	v1 =	vadd.s32 @p2 v3, v1;
	_ =	sdelay $0x2  }
0xa8: {  	v2 =	vor.u32 @p2 $0x8, v2  }
0xa9: {  	vm0 =	vmmov @p2 $0xffff;
	s12 =	simm.s32 @p2 $0x0;
	s23 =	simm.s32 @p2 $0xE400;
	v0 =	vperm.xlane @p2 v0, v2  }
0xaa: {  	[tilespmem:s23], [sflag:$0x1] =	stream.indirect_vreg.gather @p2 [hbm4b:s2+s12], $0x80, v1, vm0, $0xb8;
	[tilespmem:$0x1D400] =	vst v63  }
0xab: {  	v0 =	vadd.s32 @p2 v3, v0;
	s23 =	simm.s32 @p2 $0xEC00  }
0xac: {  	[tilespmem:s23], [sflag:$0x1] =	stream.indirect_vreg.gather @p2 [hbm4b:s14+s12], $0x80, v1, vm0, $0xb8;
	[tilespmem:$0x1D400] =	vst v63  }
0xad: {  	s23 =	simm.s32 @p2 $0xF400  }
0xae: {  	[tilespmem:s23], [sflag:$0x1] =	stream.indirect_vreg.gather @p2 [hbm4b:s15+s12], $0x80, v1, vm0, $0xb8;
	[tilespmem:$0x1D400] =	vst v63  }
0xaf: {  	s23 =	simm.s32 @p2 $0xFC00  }
0xb0: {  	[tilespmem:s23], [sflag:$0x1] =	stream.indirect_vreg.gather @p2 [hbm4b:s2+s12], $0x80, v0, vm0, $0xb8;
	[tilespmem:$0x1D400] =	vst v63  }
0xb1: {  	s23 =	simm.s32 @p2 $0x10400  }
0xb2: {  	[tilespmem:s23], [sflag:$0x1] =	stream.indirect_vreg.gather @p2 [hbm4b:s14+s12], $0x80, v0, vm0, $0xb8;
	[tilespmem:$0x1D400] =	vst v63  }
0xb3: {  	s23 =	simm.s32 @p2 $0x10C00  }
0xb4: {  	[tilespmem:s23], [sflag:$0x1] =	stream.indirect_vreg.gather @p2 [hbm4b:s15+s12], $0x80, v0, vm0, $0xb8;
	[tilespmem:$0x1D400] =	vst v63  }
0xb5: {  	s12 =	sadd.s32 $0xFFFFFFFC, s21  }
0xb6: {  	p0 =	sge.s32 @!p1 s12, s9  }
0xb7: {  	p5 =	sne.s32 s22, $0x41;
	s12 =	sadd.s32 $0xFFFFFFBD, s22;
	p6 =	por p0, p1  }
0xb8: {  	p4 =	seq.s32 @!p6 s12, $0x0;
	s12 =	simm.s32 @!p5 $0x0  }
0xb9: {  	s28 =	sld [smem:$0x7EF];
	s12 =	simm.s32 @p5 $0x1  }
0xba: {  	[smem:$0x7ED] =	sst s12  }
0xbb: {  	s26 =	sld [smem:$0x7ED];
	_ =	sdelay $0x1  }
0xbc: {  	p3 =	por @!p1 p4, p0  }
0xbd: {  	p5 =	seq.s32 s28, $0x1;
	p2 =	por p3, p1;
	p3 =	seq.s32 s26, $0x1  }
0xbe: {  	s23 =	sadd.s32 $0xFFFFFFFE, s21;
	s12 =	sadd.s32 @!p2 s21, s8;
	p3 =	por !p3, !p5  }
0xbf: {  	p5 =	sne.s32 @!p2 s12, $0x42;
	p2 =	por !p3, !p3;
	p3 =	slt.s32 s23, s9  }
0xc0: {  	p3 =	por !p2, !p3  }
0xc1: {  	s12 =	simm.s32 @!p3 $0x0  }
0xc2: {  	s12 =	simm.s32 @p3 $0x1  }
0xc3: {  	[smem:$0x7EE] =	sst s12  }
0xc4: {  	s12 =	sld [smem:$0x7EE];
	_ =	sdelay $0x1  }
0xc5: {  	p3 =	por @!p6 !p5, p4  }
0xc6: {  	p2 =	por @!p1 p3, p0;
	p3 =	seq.s32 s12, $0x1  }
0xc7: {  	p4 =	por @!p6 p5, p4;
	p5 =	por p2, p1;
	p3 =	por !p3, !p3  }
0xc8: {  	p4 =	por @!p1 p4, p0;
	s23 =	simm.s32 @!p5 $0x7;
	s12 =	sadd.s32 @p3 s21, s8  }
0xc9: {  	p1 =	por p4, p1;
	_ =	swait.ge @!p5 [sflag:s23], $0x3000;
	p0 =	sne.s32 @p3 s12, $0x40  }
0xca: {  	[sflag:s23] =	ssyncset.done @!p5 $0x0;
	s12 =	sadd.s32 @p3 $0xFFFFFFFE, s12;
	p6 =	por !p0, !p3  }
0xcb: {  	[sflag:s23] =	ssyncadd.s32 @!p5 $0xFFFFD000;
	p4 =	slt.s32 @!p6 s12, $0x3E;
	s12 =	simm.s32 @!p1 $0x7  }
0xcc: {  	s23 =	simm.s32 @!p6 $0xFFFFC1A8;
	s24 =	simm.s32 @!p6 $0x0;
	p4 =	por @p3 !p4, !p0  }
0xcd: {  	_ =	swait.ge @!p1 [sflag:s12], $0x1800;
	s24 =	simm.s32 @p6 $0x1;
	p4 =	por !p4, !p3  }
0xce: {  	[sflag:s12] =	ssyncset.done @!p1 $0x0;
	[smem:$0x7F7] =	sst s24;
	s23 =	simm.s32 @!p4 $0x10  }
0xcf: {  	[sflag:s12] =	ssyncadd.s32 @!p1 $0xFFFFE800;
	s12 =	simm.s32 @p3 $0x4;
	s23 =	sadd.s32 @!p6 s23, s19  }
0xd0: {  	_ =	swait.ge @p3 [sflag:s12], $0x3000;
	s23 =	sshrl.u32 @!p6 s23, $0x3  }
0xd1: {  	[sflag:s12] =	ssyncset.done @p3 $0x0;
	s23 =	smul.u32 @!p6 $0x300, s23  }
0xd2: {  	s26 =	simm.s32 @!p6 $0x17400;
	s24 =	sadd.s32 $0x1, s21;
	[sflag:s12] =	ssyncadd.s32 @p3 $0xFFFFD000  }
0xd3: {  	p3 =	por p0, !p3;
	s12 =	sadd.s32 @!p6 s3, s23;
	s23 =	simm.s32 @!p6 $0x0  }
0xd4: {  	[hbm4b:s12+s23] =	stream.linear.scatter @!p6 [tilespmem:s26], [sflag:$0x9], $0x3000, $0x38;
	[tilespmem:$0x1D400] =	vst v63  }
0xd5: {  	p2 =	sne.s32 s22, $0x3E;
	p1 =	slt.u32 s24, s9;
	s12 =	simm.s32 @!p3 $0x0  }
0xd6: {  	p0 =	por !p1, !p2;
	s12 =	simm.s32 @p3 $0x1  }
0xd7: {  	s23 =	simm.s32 @!p3 $0x17400;
	[smem:$0x7F9] =	sst s12;
	s12 =	simm.s32 @!p3 $0x0  }
0xd8: {  	[hbm4b:s13+s12] =	stream.linear.scatter @!p3 [tilespmem:s23], [sflag:$0x9], $0x1800, $0x38;
	[tilespmem:$0x1D400] =	vst v63  }
0xd9: {  	p3 =	por !p0, !p0  }
0xda: {  	s26 =	smov.u32 s24;
	s12 =	sadd.s32 $0x1, s22;
	p0 =	sne.s32 @p3 s5, $0x0  }
0xdb: {  	s23 =	sadd.s32 @p3 $0x7FFFC1, s21;
	p1 =	slt.s32 @p3 s12, $0x40;
	p0 =	por !p0, !p3  }
0xdc: {  	s26 =	smov.u32 @p0 s23;
	p0 =	por !p1, !p3  }
0xdd: {  	s24 =	smov.u32 @p0 s26  }
0xde: {  	s12 =	simm.s32 @p3 $0x0;
	s23 =	sshll.u32 @p3 s24, $0x9  }
0xdf: {  	s12 =	simm.s32 @p0 $0x2000;
	s23 =	sshra.s32 @p3 s23, $0x2  }
0xe0: {  	s12 =	sadd.s32 @p3 s23, s12  }
0xe1: {  	v0 =	vld @p3 [tilespmem:s12+$0x0];
	_ =	sdelay $0x4  }
0xe2: {  	v1 =	vshrl.u32 @p3 v0, $0x3  }
0xe3: {  	v1 =	vmul.u32 @p3 $0x30, v1  }
0xe4: {  	v2 =	vlaneseq.u32 @p3;
	v0 =	vand.u32 @p3 $0x7, v0  }
0xe5: {  	v3 =	vshrl.u32 @p3 v2, $0x3;
	v0 =	vor.u32 @p3 v0, v1;
	v1 =	vand.u32 @p3 $0x7, v2  }
0xe6: {  	v3 =	vmul.u32 @p3 $0x8, v3;
	v1 =	vperm.xlane @p3 v0, v1;
	_ =	sdelay $0x1  }
0xe7: {  	v1 =	vadd.s32 @p3 v3, v1;
	_ =	sdelay $0x2  }
0xe8: {  	v2 =	vor.u32 @p3 $0x8, v2  }
0xe9: {  	vm0 =	vmmov @p3 $0xffff;
	s23 =	simm.s32 @p3 $0x11400;
	s12 =	simm.s32 @p3 $0x0;
	v0 =	vperm.xlane @p3 v0, v2  }
0xea: {  	[tilespmem:s23], [sflag:$0x2] =	stream.indirect_vreg.gather @p3 [hbm4b:s2+s12], $0x80, v1, vm0, $0xb8;
	[tilespmem:$0x1D400] =	vst v63  }
0xeb: {  	v0 =	vadd.s32 @p3 v3, v0;
	s23 =	simm.s32 @p3 $0x11C00  }
0xec: {  	[tilespmem:s23], [sflag:$0x2] =	stream.indirect_vreg.gather @p3 [hbm4b:s14+s12], $0x80, v1, vm0, $0xb8;
	[tilespmem:$0x1D400] =	vst v63  }
0xed: {  	s28 =	sld [smem:$0x7EF];
	s23 =	simm.s32 @p3 $0x12400  }
0xee: {  	[tilespmem:s23], [sflag:$0x2] =	stream.indirect_vreg.gather @p3 [hbm4b:s15+s12], $0x80, v1, vm0, $0xb8;
	[tilespmem:$0x1D400] =	vst v63  }
0xef: {  	s24 =	sld [smem:$0x7F0];
	s23 =	simm.s32 @p3 $0x12C00  }
0xf0: {  	[tilespmem:s23], [sflag:$0x2] =	stream.indirect_vreg.gather @p3 [hbm4b:s2+s12], $0x80, v0, vm0, $0xb8;
	[tilespmem:$0x1D400] =	vst v63  }
0xf1: {  	p4 =	sne.s32 s22, $0x40;
	p5 =	seq.s32 s28, $0x1;
	s23 =	simm.s32 @p3 $0x13400  }
0xf2: {  	[tilespmem:s23], [sflag:$0x2] =	stream.indirect_vreg.gather @p3 [hbm4b:s14+s12], $0x80, v0, vm0, $0xb8;
	[tilespmem:$0x1D400] =	vst v63  }
0xf3: {  	p0 =	por !p4, !p5;
	p4 =	seq.s32 s24, $0x1;
	s23 =	simm.s32 @p3 $0x13C00  }
0xf4: {  	[tilespmem:s23], [sflag:$0x2] =	stream.indirect_vreg.gather @p3 [hbm4b:s15+s12], $0x80, v0, vm0, $0xb8;
	[tilespmem:$0x1D400] =	vst v63  }
0xf5: {  	s12 =	simm.s32 @!p4 $0x8  }
0xf6: {  	_ =	swait.ge @!p4 [sflag:s12], $0x3000  }
0xf7: {  	s26 =	sld [smem:$0x7F1]  }
0xf8: {  	p6 =	sle.u32 s21, s9;
	p0 =	por !p0, !p0  }
0xf9: {  	p0 =	por !p0, !p6  }
0xfa: {  	p0 =	por !p0, !p0;
	[sflag:s12] =	ssyncset.done @!p4 $0x0;
	p1 =	seq.s32 s26, $0x1  }
0xfb: {  	s23 =	sadd.s32 @p0 s21, s8;
	[sflag:s12] =	ssyncadd.s32 @!p4 $0xFFFFD000;
	s12 =	simm.s32 @!p1 $0x8  }
0xfc: {  	p5 =	sne.s32 @p0 s23, $0x3F;
	_ =	swait.ge @!p1 [sflag:s12], $0x1800  }
0xfd: {  	s23 =	sadd.s32 @p0 $0xFFFFFFFF, s23;
	p4 =	por !p5, !p0;
	[sflag:s12] =	ssyncset.done @!p1 $0x0  }
0xfe: {  	s24 =	simm.s32 @!p5 $0x0;
	[sflag:s12] =	ssyncadd.s32 @!p1 $0xFFFFE800;
	p1 =	slt.s32 @!p4 s23, $0x3E  }
0xff: {  	s24 =	simm.s32 @p5 $0x1;
	s12 =	sadd.s32 $0x2, s21;
	p1 =	por @p0 !p1, !p5  }
0x100: {  	s26 =	sadd.s32 $0xFFFFFFC3, s22;
	p5 =	por !p1, !p0;
	p1 =	sge.u32 s12, s9  }
0x101: {  	[smem:$0x7F4] =	sst s24;
	s24 =	simm.s32 @!p4 $0xFFFFC1B8;
	s28 =	simm.s32 @!p1 $0x0  }
0x102: {  	s24 =	simm.s32 @!p5 $0x20;
	p5 =	seq.s32 @!p1 s26, $0x0;
	s28 =	simm.s32 @p1 $0x1  }
0x103: {  	s23 =	simm.s32 @p0 $0x5;
	s26 =	simm.s32 @!p5 $0x0;
	[smem:$0x7F3] =	sst s28  }
0x104: {  	s26 =	simm.s32 @p5 $0x1;
	p5 =	por p5, p1;
	_ =	swait.ge @p0 [sflag:s23], $0x3000  }
0x105: {  	s24 =	sadd.s32 @!p4 s24, s19;
	p6 =	sne.s32 @!p5 s5, $0x0;
	[sflag:s23] =	ssyncset.done @p0 $0x0  }
0x106: {  	[sflag:s23] =	ssyncadd.s32 @p0 $0xFFFFD000;
	s23 =	sshrl.u32 @!p4 s24, $0x3;
	s24 =	simm.s32 @!p6 $0x0  }
0x107: {  	s24 =	simm.s32 @p6 $0x1  }
0x108: {  	[smem:$0x7F2] =	sst s24  }
0x109: {  	s28 =	sld [smem:$0x7F2];
	_ =	sdelay $0x1  }
0x10a: {  	[smem:$0x7F6] =	sst s26  }
0x10b: {  	p6 =	seq.s32 s28, $0x1;
	s28 =	sld [smem:$0x7F6];
	_ =	sdelay $0x2  }
0x10c: {  	p1 =	seq.s32 s28, $0x1;
	s28 =	sld [smem:$0x7F3];
	_ =	sdelay $0x2  }
0x10d: {  	p2 =	seq.s32 s28, $0x1;
	s28 =	sld [smem:$0x7F3];
	_ =	sdelay $0x2  }
0x10e: {  	p2 =	por @!p2 !p6, p1;
	p1 =	seq.s32 s28, $0x1  }
0x10f: {  	p2 =	por !p2, p1  }
0x110: {  	s28 =	simm.s32 @!p2 $0x0  }
0x111: {  	s28 =	simm.s32 @p2 $0x1  }
0x112: {  	[smem:$0x7F5] =	sst s28  }
0x113: {  	s28 =	sld [smem:$0x7F4];
	_ =	sdelay $0x2  }
0x114: {  	p6 =	seq.s32 s28, $0x1;
	s28 =	sld [smem:$0x7F5]  }
0x115: {  	s24 =	sadd.s32 $0x2, s22  }
0x116: {  	s23 =	smul.u32 @!p4 $0x300, s23;
	p2 =	slt.s32 @!p5 s24, $0x40;
	s24 =	simm.s32 @!p4 $0x0  }
0x117: {  	p6 =	por p6, !p0;
	p0 =	seq.s32 s28, $0x1;
	s28 =	sld [smem:$0x7F6]  }
0x118: {  	s26 =	sadd.s32 @!p5 $0x7FFFC2, s21;
	s24 =	simm.s32 @p4 $0x1  }
0x119: {  	s23 =	sadd.s32 @!p4 s3, s23;
	[smem:$0x7FA] =	sst s24;
	s24 =	simm.s32 @!p4 $0x0  }
0x11a: {  	s26 =	smov.u32 @p0 s12;
	p0 =	seq.s32 s28, $0x1;
	s28 =	simm.s32 @!p4 $0x1A400  }
0x11b: {  	[hbm4b:s23+s24] =	stream.linear.scatter @!p4 [tilespmem:s28], [sflag:$0xA], $0x3000, $0x38;
	[tilespmem:$0x1D400] =	vst v63  }
0x11c: {  	p0 =	por @!p1 !p2, p0;
	s23 =	simm.s32 @!p6 $0x0  }
0x11d: {  	s24 =	simm.s32 @!p6 $0x1A400;
	p1 =	por !p0, p1;
	s23 =	simm.s32 @p6 $0x1  }
0x11e: {  	[smem:$0x7FB] =	sst s23;
	s23 =	simm.s32 @!p6 $0x0;
	s26 =	smov.u32 @p1 s12  }
0x11f: {  	[hbm4b:s13+s23] =	stream.linear.scatter @!p6 [tilespmem:s24], [sflag:$0xA], $0x1800, $0x38;
	[tilespmem:$0x1D400] =	vst v63  }
0x120: {  	s12 =	simm.s32 @!p5 $0x0;
	s23 =	sshll.u32 @!p5 s26, $0x9  }
0x121: {  	s12 =	simm.s32 @!p1 $0x2000;
	s23 =	sshra.s32 @!p5 s23, $0x2  }
0x122: {  	s12 =	sadd.s32 @!p5 s23, s12  }
0x123: {  	v0 =	vld @!p5 [tilespmem:s12+$0x0];
	_ =	sdelay $0x4  }
0x124: {  	v1 =	vshrl.u32 @!p5 v0, $0x3  }
0x125: {  	v1 =	vmul.u32 @!p5 $0x30, v1  }
0x126: {  	v2 =	vlaneseq.u32 @!p5;
	v0 =	vand.u32 @!p5 $0x7, v0  }
0x127: {  	v3 =	vshrl.u32 @!p5 v2, $0x3;
	v0 =	vor.u32 @!p5 v0, v1;
	v1 =	vand.u32 @!p5 $0x7, v2  }
0x128: {  	v3 =	vmul.u32 @!p5 $0x8, v3;
	v1 =	vperm.xlane @!p5 v0, v1;
	_ =	sdelay $0x1  }
0x129: {  	v1 =	vadd.s32 @!p5 v3, v1;
	_ =	sdelay $0x2  }
0x12a: {  	v2 =	vor.u32 @!p5 $0x8, v2  }
0x12b: {  	vm0 =	vmmov @!p5 $0xffff;
	s23 =	simm.s32 @!p5 $0x14400;
	s12 =	simm.s32 @!p5 $0x0;
	v0 =	vperm.xlane @!p5 v0, v2  }
0x12c: {  	[tilespmem:s23], [sflag:$0x3] =	stream.indirect_vreg.gather @!p5 [hbm4b:s2+s12], $0x80, v1, vm0, $0xb8;
	[tilespmem:$0x1D400] =	vst v63  }
0x12d: {  	v0 =	vadd.s32 @!p5 v3, v0;
	s23 =	simm.s32 @!p5 $0x14C00  }
0x12e: {  	[tilespmem:s23], [sflag:$0x3] =	stream.indirect_vreg.gather @!p5 [hbm4b:s14+s12], $0x80, v1, vm0, $0xb8;
	[tilespmem:$0x1D400] =	vst v63  }
0x12f: {  	s23 =	simm.s32 @!p5 $0x15400  }
0x130: {  	[tilespmem:s23], [sflag:$0x3] =	stream.indirect_vreg.gather @!p5 [hbm4b:s15+s12], $0x80, v1, vm0, $0xb8;
	[tilespmem:$0x1D400] =	vst v63  }
0x131: {  	s26 =	sld [smem:$0x7F7];
	s23 =	simm.s32 @!p5 $0x15C00  }
0x132: {  	[tilespmem:s23], [sflag:$0x3] =	stream.indirect_vreg.gather @!p5 [hbm4b:s2+s12], $0x80, v0, vm0, $0xb8;
	[tilespmem:$0x1D400] =	vst v63  }
0x133: {  	s23 =	simm.s32 @!p5 $0x16400  }
0x134: {  	[tilespmem:s23], [sflag:$0x3] =	stream.indirect_vreg.gather @!p5 [hbm4b:s14+s12], $0x80, v0, vm0, $0xb8;
	[tilespmem:$0x1D400] =	vst v63  }
0x135: {  	s28 =	sld [smem:$0x7F8];
	s24 =	simm.s32 @!p5 $0x16C00;
	p0 =	seq.s32 s26, $0x1  }
0x136: {  	[tilespmem:s24], [sflag:$0x3] =	stream.indirect_vreg.gather @!p5 [hbm4b:s15+s12], $0x80, v0, vm0, $0xb8;
	[tilespmem:$0x1D400] =	vst v63  }
0x137: {  	s12 =	simm.s32 @!p0 $0x9  }
0x138: {  	p2 =	seq.s32 s28, $0x1;
	s23 =	sadd.s32 $0xFFFFFFC2, s22;
	_ =	swait.ge @!p0 [sflag:s12], $0x3000  }
0x139: {  	p1 =	sne.s32 @p2 s23, $0x0;
	s24 =	sld [smem:$0x7F9]  }
0x13a: {  	p5 =	por !p1, !p2  }
0x13b: {  	p4 =	slt.s32 @!p5 s22, $0x3E;
	[sflag:s12] =	ssyncset.done @!p0 $0x0  }
0x13c: {  	p4 =	por @p2 !p4, !p1;
	[sflag:s12] =	ssyncadd.s32 @!p0 $0xFFFFD000;
	p0 =	seq.s32 s24, $0x1  }
0x13d: {  	s23 =	simm.s32 @!p5 $0xFFFFC1C8;
	p4 =	por !p4, !p2;
	s12 =	simm.s32 @!p0 $0x9  }
0x13e: {  	s23 =	simm.s32 @!p4 $0x30;
	_ =	swait.ge @!p0 [sflag:s12], $0x1800  }
0x13f: {  	s23 =	sadd.s32 @!p5 s23, s19;
	[sflag:s12] =	ssyncset.done @!p0 $0x0  }
0x140: {  	s23 =	sshrl.u32 @!p5 s23, $0x3;
	[sflag:s12] =	ssyncadd.s32 @!p0 $0xFFFFE800;
	s12 =	simm.s32 @p2 $0x1  }
0x141: {  	s23 =	smul.u32 @!p5 $0x300, s23;
	_ =	swait.ge @p2 [sflag:s12], $0x3000  }
0x142: {  	p1 =	por p1, !p2;
	s24 =	simm.s32 @!p5 $0xE400;
	[sflag:s12] =	ssyncset.done @p2 $0x0  }
0x143: {  	[sflag:s12] =	ssyncadd.s32 @p2 $0xFFFFD000;
	s12 =	sadd.s32 @!p5 s3, s23;
	s23 =	simm.s32 @!p5 $0x0  }
0x144: {  	[hbm4b:s12+s23] =	stream.linear.scatter @!p5 [tilespmem:s24], [sflag:$0x6], $0x3000, $0x38;
	[tilespmem:$0x1D400] =	vst v63  }
0x145: {  	s12 =	sadd.s32 $0x3, s21;
	s23 =	simm.s32 @!p1 $0x0;
	s24 =	simm.s32 @!p1 $0xE400  }
0x146: {  	[hbm4b:s13+s23] =	stream.linear.scatter @!p1 [tilespmem:s24], [sflag:$0x6], $0x1800, $0x38;
	[tilespmem:$0x1D400] =	vst v63  }
0x147: {  	p2 =	sge.u32 s12, s9;
	s23 =	sadd.s32 $0xFFFFFFC4, s22  }
0x148: {  	p4 =	seq.s32 @!p2 s23, $0x0  }
0x149: {  	p1 =	por p4, p2  }
0x14a: {  	s23 =	sadd.s32 $0x3, s22;
	p5 =	sne.s32 @!p1 s5, $0x0  }
0x14b: {  	p0 =	slt.s32 @!p1 s23, $0x40;
	p5 =	por @!p2 !p5, p4  }
0x14c: {  	s23 =	sadd.s32 @!p1 $0x7FFFC3, s21;
	p0 =	por @!p2 !p0, p4;
	p4 =	por !p5, p2  }
0x14d: {  	p0 =	por !p0, p2;
	s23 =	smov.u32 @p4 s12  }
0x14e: {  	s23 =	smov.u32 @p0 s12  }
0x14f: {  	s12 =	simm.s32 @!p1 $0x0;
	s23 =	sshll.u32 @!p1 s23, $0x9  }
0x150: {  	s12 =	simm.s32 @!p0 $0x2000;
	s23 =	sshra.s32 @!p1 s23, $0x2  }
0x151: {  	s12 =	sadd.s32 @!p1 s23, s12  }
0x152: {  	v0 =	vld @!p1 [tilespmem:s12+$0x0];
	_ =	sdelay $0x4  }
0x153: {  	v1 =	vshrl.u32 @!p1 v0, $0x3  }
0x154: {  	v1 =	vmul.u32 @!p1 $0x30, v1  }
0x155: {  	v2 =	vlaneseq.u32 @!p1;
	v0 =	vand.u32 @!p1 $0x7, v0  }
0x156: {  	v3 =	vshrl.u32 @!p1 v2, $0x3;
	v0 =	vor.u32 @!p1 v0, v1;
	v1 =	vand.u32 @!p1 $0x7, v2  }
0x157: {  	v3 =	vmul.u32 @!p1 $0x8, v3;
	v1 =	vperm.xlane @!p1 v0, v1;
	_ =	sdelay $0x1  }
0x158: {  	v1 =	vadd.s32 @!p1 v3, v1;
	_ =	sdelay $0x2  }
0x159: {  	v2 =	vor.u32 @!p1 $0x8, v2  }
0x15a: {  	vm0 =	vmmov @!p1 $0xffff;
	s23 =	simm.s32 @!p1 $0x17400;
	s12 =	simm.s32 @!p1 $0x0;
	v0 =	vperm.xlane @!p1 v0, v2  }
0x15b: {  	[tilespmem:s23], [sflag:$0x4] =	stream.indirect_vreg.gather @!p1 [hbm4b:s2+s12], $0x80, v1, vm0, $0xb8;
	[tilespmem:$0x1D400] =	vst v63  }
0x15c: {  	v0 =	vadd.s32 @!p1 v3, v0;
	s23 =	simm.s32 @!p1 $0x17C00  }
0x15d: {  	[tilespmem:s23], [sflag:$0x4] =	stream.indirect_vreg.gather @!p1 [hbm4b:s14+s12], $0x80, v1, vm0, $0xb8;
	[tilespmem:$0x1D400] =	vst v63  }
0x15e: {  	s23 =	simm.s32 @!p1 $0x18400  }
0x15f: {  	[tilespmem:s23], [sflag:$0x4] =	stream.indirect_vreg.gather @!p1 [hbm4b:s15+s12], $0x80, v1, vm0, $0xb8;
	[tilespmem:$0x1D400] =	vst v63  }
0x160: {  	s26 =	sld [smem:$0x7FA];
	s23 =	simm.s32 @!p1 $0x18C00  }
0x161: {  	[tilespmem:s23], [sflag:$0x4] =	stream.indirect_vreg.gather @!p1 [hbm4b:s2+s12], $0x80, v0, vm0, $0xb8;
	[tilespmem:$0x1D400] =	vst v63  }
0x162: {  	s23 =	simm.s32 @!p1 $0x19400  }
0x163: {  	[tilespmem:s23], [sflag:$0x4] =	stream.indirect_vreg.gather @!p1 [hbm4b:s14+s12], $0x80, v0, vm0, $0xb8;
	[tilespmem:$0x1D400] =	vst v63  }
0x164: {  	p4 =	seq.s32 s26, $0x1;
	s23 =	simm.s32 @!p1 $0x19C00  }
0x165: {  	[tilespmem:s23], [sflag:$0x4] =	stream.indirect_vreg.gather @!p1 [hbm4b:s15+s12], $0x80, v0, vm0, $0xb8;
	[tilespmem:$0x1D400] =	vst v63  }
0x166: {  	s23 =	simm.s32 @!p4 $0xA  }
0x167: {  	s12 =	sadd.s32 @p3 s21, s8;
	_ =	swait.ge @!p4 [sflag:s23], $0x3000  }
0x168: {  	p1 =	sne.s32 @p3 s12, $0x3D;
	s28 =	sld [smem:$0x7FB]  }
0x169: {  	s12 =	sadd.s32 @p3 $0x1, s12;
	p2 =	por !p1, !p3  }
0x16a: {  	[sflag:s23] =	ssyncset.done @!p4 $0x0;
	p0 =	slt.s32 @!p2 s12, $0x3E  }
0x16b: {  	[sflag:s23] =	ssyncadd.s32 @!p4 $0xFFFFD000;
	p0 =	por @p3 !p0, !p1;
	p4 =	seq.s32 s28, $0x1  }
0x16c: {  	s23 =	simm.s32 @!p2 $0xFFFFC1D8;
	p0 =	por !p0, !p3;
	s12 =	simm.s32 @!p4 $0xA  }
0x16d: {  	s23 =	simm.s32 @!p0 $0x40;
	_ =	swait.ge @!p4 [sflag:s12], $0x1800  }
0x16e: {  	s23 =	sadd.s32 @!p2 s23, s19;
	[sflag:s12] =	ssyncset.done @!p4 $0x0  }
0x16f: {  	s23 =	sshrl.u32 @!p2 s23, $0x3;
	[sflag:s12] =	ssyncadd.s32 @!p4 $0xFFFFE800;
	s12 =	simm.s32 @p3 $0x2  }
0x170: {  	s23 =	smul.u32 @!p2 $0x300, s23;
	_ =	swait.ge @p3 [sflag:s12], $0x3000  }
0x171: {  	s24 =	simm.s32 @!p2 $0x11400;
	p0 =	por p1, !p3;
	[sflag:s12] =	ssyncset.done @p3 $0x0  }
0x172: {  	[sflag:s12] =	ssyncadd.s32 @p3 $0xFFFFD000;
	s12 =	sadd.s32 @!p2 s3, s23;
	s23 =	simm.s32 @!p2 $0x0  }
0x173: {  	[hbm4b:s12+s23] =	stream.linear.scatter @!p2 [tilespmem:s24], [sflag:$0x7], $0x3000, $0x38;
	[tilespmem:$0x1D400] =	vst v63  }
0x174: {  	s12 =	sadd.s32 $0x4, s21;
	s23 =	simm.s32 @!p0 $0x0;
	s24 =	simm.s32 @!p0 $0x11400  }
0x175: {  	[hbm4b:s13+s23] =	stream.linear.scatter @!p0 [tilespmem:s24], [sflag:$0x7], $0x1800, $0x38;
	[tilespmem:$0x1D400] =	vst v63  }
0x176: {  	p1 =	sge.u32 s12, s9;
	s23 =	sadd.s32 $0xFFFFFFC5, s22  }
0x177: {  	p2 =	seq.s32 @!p1 s23, $0x0  }
0x178: {  	p0 =	por p2, p1  }
0x179: {  	s22 =	sadd.s32 $0x4, s22;
	p3 =	sne.s32 @!p0 s5, $0x0  }
0x17a: {  	p4 =	slt.s32 @!p0 s22, $0x40;
	p3 =	por @!p1 !p3, p2  }
0x17b: {  	s22 =	sadd.s32 @!p0 $0x7FFFC4, s21;
	p2 =	por @!p1 !p4, p2;
	p3 =	por !p3, p1  }
0x17c: {  	p1 =	por !p2, p1;
	s22 =	smov.u32 @p3 s12  }
0x17d: {  	s22 =	smov.u32 @p1 s12  }
0x17e: {  	s12 =	simm.s32 @!p0 $0x0;
	s22 =	sshll.u32 @!p0 s22, $0x9  }
0x17f: {  	s12 =	simm.s32 @!p1 $0x2000;
	s22 =	sshra.s32 @!p0 s22, $0x2  }
0x180: {  	s12 =	sadd.s32 @!p0 s22, s12  }
0x181: {  	v0 =	vld @!p0 [tilespmem:s12+$0x0];
	_ =	sdelay $0x4  }
0x182: {  	v1 =	vshrl.u32 @!p0 v0, $0x3  }
0x183: {  	v1 =	vmul.u32 @!p0 $0x30, v1  }
0x184: {  	v2 =	vlaneseq.u32 @!p0;
	v0 =	vand.u32 @!p0 $0x7, v0  }
0x185: {  	v3 =	vshrl.u32 @!p0 v2, $0x3;
	v0 =	vor.u32 @!p0 v0, v1;
	v1 =	vand.u32 @!p0 $0x7, v2  }
0x186: {  	v3 =	vmul.u32 @!p0 $0x8, v3;
	v1 =	vperm.xlane @!p0 v0, v1;
	_ =	sdelay $0x1  }
0x187: {  	v1 =	vadd.s32 @!p0 v3, v1;
	_ =	sdelay $0x2  }
0x188: {  	v2 =	vor.u32 @!p0 $0x8, v2  }
0x189: {  	vm0 =	vmmov @!p0 $0xffff;
	s22 =	simm.s32 @!p0 $0x1A400;
	s12 =	simm.s32 @!p0 $0x0;
	v0 =	vperm.xlane @!p0 v0, v2  }
0x18a: {  	[tilespmem:s22], [sflag:$0x5] =	stream.indirect_vreg.gather @!p0 [hbm4b:s2+s12], $0x80, v1, vm0, $0xb8;
	[tilespmem:$0x1D400] =	vst v63  }
0x18b: {  	v0 =	vadd.s32 @!p0 v3, v0;
	s22 =	simm.s32 @!p0 $0x1AC00  }
0x18c: {  	[tilespmem:s22], [sflag:$0x5] =	stream.indirect_vreg.gather @!p0 [hbm4b:s14+s12], $0x80, v1, vm0, $0xb8;
	[tilespmem:$0x1D400] =	vst v63  }
0x18d: {  	s22 =	simm.s32 @!p0 $0x1B400  }
0x18e: {  	[tilespmem:s22], [sflag:$0x5] =	stream.indirect_vreg.gather @!p0 [hbm4b:s15+s12], $0x80, v1, vm0, $0xb8;
	[tilespmem:$0x1D400] =	vst v63  }
0x18f: {  	s22 =	simm.s32 @!p0 $0x1BC00  }
0x190: {  	[tilespmem:s22], [sflag:$0x5] =	stream.indirect_vreg.gather @!p0 [hbm4b:s2+s12], $0x80, v0, vm0, $0xb8;
	[tilespmem:$0x1D400] =	vst v63  }
0x191: {  	s22 =	simm.s32 @!p0 $0x1C400  }
0x192: {  	[tilespmem:s22], [sflag:$0x5] =	stream.indirect_vreg.gather @!p0 [hbm4b:s14+s12], $0x80, v0, vm0, $0xb8;
	[tilespmem:$0x1D400] =	vst v63  }
0x193: {  	s21 =	sadd.s32 $0x5, s21;
	s22 =	simm.s32 @!p0 $0x1CC00  }
0x194: {  	[tilespmem:s22], [sflag:$0x5] =	stream.indirect_vreg.gather @!p0 [hbm4b:s15+s12], $0x80, v0, vm0, $0xb8;
	[tilespmem:$0x1D400] =	vst v63  }
0x195: {  	p0 =	sne.s32 s21, $0xA0  }
.Ltmp2:
0x196: {  	_ = 	snop;
	(pc) =	sbr.rel @p0 .LBB2_2-.Ltmp2, $2  }
0x197: {  	_ =	sdelay $0x2  }
0x198: {  	s20 =	sadd.s32 $0x280, s20;
	s18 =	sadd.s32 $0x280, s18;
	s19 =	sadd.s32 $0x50, s19  }
0x199: {  	s12 =	sld [smem:$0x7FD];
	_ =	sdelay $0x2  }
0x19a: {  	p1 =	seq.s32 s12, $0x1  }
.Ltmp3:
0x19b: {  	_ = 	snop;
	(pc) =	sbr.rel @p1 .LBB2_5-.Ltmp3, $1  }
0x19c: {  	_ =	sdelay $0x3  }
0x19d: {  	_ =	swait.ge [sflag:s7], $0x7800  }
0x19e: {  	[sflag:s7] =	ssyncset.done $0x0  }
0x19f: {  	[sflag:s7] =	ssyncadd.s32 $0xFFFF8800  }
0x1a0: {  	_ =	swait.ge [sflag:s7], $0x7800  }
0x1a1: {  	[sflag:s7] =	ssyncset.done $0x0  }
0x1a2: {  	[sflag:s7] =	ssyncadd.s32 $0xFFFF8800  }
0x1a3: {  	_ =	swait.ge [sflag:s7], $0x7800  }
0x1a4: {  	[sflag:s7] =	ssyncset.done $0x0  }
0x1a5: {  	[sflag:s7] =	ssyncadd.s32 $0xFFFF8800  }
0x1a6: {  	_ =	swait.ge [sflag:s7], $0x7800  }
0x1a7: {  	[sflag:s7] =	ssyncset.done $0x0  }
0x1a8: {  	[sflag:s7] =	ssyncadd.s32 $0xFFFF8800  }
0x1a9: {  	_ =	swait.ge [sflag:s7], $0x7800  }
0x1aa: {  	[sflag:s7] =	ssyncset.done $0x0  }
0x1ab: {  	[sflag:s7] =	ssyncadd.s32 $0xFFFF8800  }
0x1ac: {  	_ =	swait.ge [sflag:s7], $0x7800  }
0x1ad: {  	[sflag:s7] =	ssyncset.done $0x0  }
0x1ae: {  	[sflag:s7] =	ssyncadd.s32 $0xFFFF8800  }
0x1af: {  	_ =	swait.ge [sflag:s7], $0x7800  }
0x1b0: {  	[sflag:s7] =	ssyncset.done $0x0  }
0x1b1: {  	[sflag:s7] =	ssyncadd.s32 $0xFFFF8800  }
0x1b2: {  	_ =	swait.ge [sflag:s7], $0x7800  }
0x1b3: {  	[sflag:s7] =	ssyncset.done $0x0  }
0x1b4: {  	[sflag:s7] =	ssyncadd.s32 $0xFFFF8800  }
0x1b5: {  	_ =	swait.ge [sflag:s7], $0x7800  }
0x1b6: {  	[sflag:s7] =	ssyncset.done $0x0  }
0x1b7: {  	[sflag:s7] =	ssyncadd.s32 $0xFFFF8800  }
0x1b8: {  	_ =	swait.ge [sflag:s7], $0x7800  }
0x1b9: {  	[sflag:s7] =	ssyncset.done $0x0  }
0x1ba: {  	[sflag:s7] =	ssyncadd.s32 $0xFFFF8800  }
0x1bb: {  	_ =	swait.ge [sflag:s7], $0x7800  }
0x1bc: {  	[sflag:s7] =	ssyncset.done $0x0  }
0x1bd: {  	[sflag:s7] =	ssyncadd.s32 $0xFFFF8800  }
0x1be: {  	_ =	swait.ge [sflag:s7], $0x7800  }
0x1bf: {  	[sflag:s7] =	ssyncset.done $0x0  }
0x1c0: {  	[sflag:s7] =	ssyncadd.s32 $0xFFFF8800  }
0x1c1: {  	_ =	swait.ge [sflag:s7], $0x7800  }
0x1c2: {  	[sflag:s7] =	ssyncset.done $0x0  }
0x1c3: {  	[sflag:s7] =	ssyncadd.s32 $0xFFFF8800  }
0x1c4: {  	_ =	swait.ge [sflag:s7], $0x7800  }
0x1c5: {  	[sflag:s7] =	ssyncset.done $0x0  }
0x1c6: {  	[sflag:s7] =	ssyncadd.s32 $0xFFFF8800  }
0x1c7: {  	_ =	swait.ge [sflag:s7], $0x7800  }
0x1c8: {  	[sflag:s7] =	ssyncset.done $0x0  }
0x1c9: {  	[sflag:s7] =	ssyncadd.s32 $0xFFFF8800  }
0x1ca: {  	_ =	swait.ge [sflag:s7], $0x7800  }
0x1cb: {  	[sflag:s7] =	ssyncset.done $0x0  }
0x1cc: {  	[sflag:s7] =	ssyncadd.s32 $0xFFFF8800  }
0x1cd: {  	_ =	swait.ge [sflag:s7], $0x7800  }
0x1ce: {  	[sflag:s7] =	ssyncset.done $0x0  }
0x1cf: {  	[sflag:s7] =	ssyncadd.s32 $0xFFFF8800  }
0x1d0: {  	_ =	swait.ge [sflag:s7], $0x7800  }
0x1d1: {  	[sflag:s7] =	ssyncset.done $0x0  }
0x1d2: {  	[sflag:s7] =	ssyncadd.s32 $0xFFFF8800  }
0x1d3: {  	_ =	swait.ge [sflag:s7], $0x7800  }
0x1d4: {  	[sflag:s7] =	ssyncset.done $0x0  }
0x1d5: {  	[sflag:s7] =	ssyncadd.s32 $0xFFFF8800  }
0x1d6: {  	_ =	swait.ge [sflag:s7], $0x7800  }
0x1d7: {  	[sflag:s7] =	ssyncset.done $0x0  }
0x1d8: {  	[sflag:s7] =	ssyncadd.s32 $0xFFFF8800  }
0x1d9: {  	_ =	swait.ge [sflag:s7], $0x7800  }
0x1da: {  	[sflag:s7] =	ssyncset.done $0x0  }
0x1db: {  	[sflag:s7] =	ssyncadd.s32 $0xFFFF8800  }
0x1dc: {  	_ =	swait.ge [sflag:s7], $0x7800  }
0x1dd: {  	[sflag:s7] =	ssyncset.done $0x0  }
0x1de: {  	[sflag:s7] =	ssyncadd.s32 $0xFFFF8800  }
0x1df: {  	_ =	swait.ge [sflag:s7], $0x7800  }
0x1e0: {  	[sflag:s7] =	ssyncset.done $0x0  }
0x1e1: {  	[sflag:s7] =	ssyncadd.s32 $0xFFFF8800  }
0x1e2: {  	_ =	swait.ge [sflag:s7], $0x7800  }
.Ltmp4:
0x1e3: {  	[sflag:s7] =	ssyncset.done $0x0;
	(pc) =	sbr.rel .LBB2_5-.Ltmp4, $4  }
0x1e4: {  	[sflag:s7] =	ssyncadd.s32 $0xFFFF8800  }
0x1e5: {  	_ =	swait.ge [sflag:s7], $0x7800  }
0x1e6: {  	[sflag:s7] =	ssyncset.done $0x0  }
0x1e7: {  	[sflag:s7] =	ssyncadd.s32 $0xFFFF8800  }
.LBB2_6:
0x1e8: {  	_ =	sfence.sel $0x180000  }
0x1e9: {  	[bflag:$0x0] =	sbarrier.arrive $0xFFFF  }
0x1ea: {  	_ =	strace $0x90000047  }
0x1eb: {  	s0 =	stileid.u32;
	[bflag:$0x2] =	sbarrier.arrive $0xFFFF  }
0x1ec: {  	p0 =	sne.s32 s0, $0x0;
	s0 =	rddreg [dreg:$0x3]  }
0x1ed: {  	s0 =	sadd.s32 @!p0 $0x100000, s0  }
0x1ee: {  	[sflag:s0] =	ssyncadd.tile.s32 @!p0 $0x1;
	_ =	shalt  }
.Lfunc_end2:
_tile_overlayer_lowered:
.L_overlay_start_2:
0x1ef: {  	(tag) =	ssettag $0x2  }
0x1f0: {  	s0 =	rddreg [dreg:$0x0];
	s2 =	stileid.u32  }
0x1f1: {  	s1 =	rddreg [dreg:$0x1];
	p0 =	sne.s32 s2, $0x0  }
0x1f2: {  	s3 =	rddreg [dreg:$0x2];
	[bflag:$0x3] =	sbarrier.arrive $0xFFFF;
	s2 =	simm.s32 @!p0 $0x1C0C  }
0x1f3: {  	[timem:s3], [sflag:s2] =	dma.local @!p0 [hbm:s0], s1  }
0x1f4: {  	s0 =	simm.s32 @!p0 $0xC  }
0x1f5: {  	_ =	swait.ge @!p0 [sflag:s0], s1  }
0x1f6: {  	s1 =	ssub.s32 @!p0 $0x0, s1;
	[sflag:s0] =	ssyncset.done @!p0 $0x0  }
0x1f7: {  	[sflag:s0] =	ssyncadd.s32 @!p0 s1  }
0x1f8: {  	[bflag:$0x3] =	sbarrier.arrive $0xFFFF  }
0x1f9: {  	_ =	shalt  }

</sc_bundles>
